<compile_context>
chip_gen: v7x
topology: tpu7x:2x2x1
jax: 0.10.2.dev20260603
libtpu: 0.0.44.dev20260713+nightly
codegen_flags: <defaults>
</compile_context>

<pallas_src>
import functools

import jax
import jax.numpy as jnp
from jax import lax
from jax.experimental import pallas as pl
from jax.experimental.pallas import tpu as pltpu
from jax.experimental.pallas import tpu_sc as plsc

_VOCAB = 100000
_D = 64
_NT = 5
_SEQ = 200
_NG = _SEQ - _NT
_L = 16


def _build(B, NC, NS):
    NW = NC * NS
    bpw = B // NW
    mesh = plsc.VectorSubcoreMesh(core_axis_name="c", subcore_axis_name="s")

    @functools.partial(
        pl.kernel,
        out_type=jax.ShapeDtypeStruct((B, _SEQ, _D), jnp.float32),
        mesh=mesh,
        compiler_params=pltpu.CompilerParams(use_tc_tiling_on_sc=False),
        scratch_types=[
            pltpu.VMEM((bpw, _SEQ), jnp.int32),
            pltpu.VMEM((bpw, _NT * _D), jnp.float32),
            [pltpu.VMEM((_SEQ + _NT, _D), jnp.float32)] * 2,
            pltpu.VMEM((_NT, _D), jnp.float32),
            pltpu.VMEM((_NT, _D), jnp.float32),
            [pltpu.SemaphoreType.DMA] * 2,
        ],
    )
    def k(tok_hbm, table_hbm, samp_hbm, var_hbm, avg_hbm, out_hbm,
          idxs_v, samps_v, bufs, var_v, avg_v, sgs):
        wid = lax.axis_index("s") * NC + lax.axis_index("c")
        b0 = wid * bpw
        pltpu.sync_copy(var_hbm, var_v)
        pltpu.sync_copy(avg_hbm, avg_v)
        pltpu.sync_copy(tok_hbm.at[pl.ds(b0, bpw)], idxs_v)
        pltpu.sync_copy(samp_hbm.at[pl.ds(b0, bpw)], samps_v)

        def gather_issue(g, s):
            pltpu.async_copy(table_hbm.at[idxs_v.at[g, pl.ds(0, 128)]],
                             bufs[s].at[pl.ds(0, 128)], sgs[s])
            pltpu.async_copy(table_hbm.at[idxs_v.at[g, pl.ds(128, 72)]],
                             bufs[s].at[pl.ds(128, 72)], sgs[s])

        def finish(g, s):
            buf = bufs[s]
            for j in range(_NT * _D // _L):
                r, c = divmod(j, _D // _L)
                csl = pl.ds(c * _L, _L)
                buf[_SEQ + r, csl] = (
                    samps_v[g, pl.ds(j * _L, _L)] * var_v[r, csl]
                    + avg_v[r, csl])
            pltpu.make_async_copy(table_hbm.at[pl.ds(0, 128)],
                                  buf.at[pl.ds(0, 128)], sgs[s]).wait()
            pltpu.make_async_copy(table_hbm.at[pl.ds(0, 72)],
                                  buf.at[pl.ds(128, 72)], sgs[s]).wait()
            pltpu.sync_copy(buf.at[pl.ds(_NT, _SEQ)], out_hbm.at[b0 + g])

        gather_issue(0, 0)

        def body(tt, carry):
            g0 = 2 * tt
            gather_issue(g0 + 1, 1)
            finish(g0, 0)

            @pl.when(tt + 1 < bpw // 2)
            def _():
                gather_issue(g0 + 2, 0)

            finish(g0 + 1, 1)
            return carry

        lax.fori_loop(0, bpw // 2, body, 0)

    return k


def kernel(tokens, table, avg, var):
    B = tokens.shape[0]
    sample = jax.random.normal(jax.random.key(1), (B, _NT * _D),
                               dtype=jnp.float32)
    info = plsc.get_sparse_core_info()
    k = _build(B, info.num_cores, info.num_subcores)
    return k(tokens, table, sample, var, avg)

# --- scband reference (transcript-rebuilt; emitter-appended) ---
"""Pipeline reference for scband-soft-single-embedding-16003048145473 (READ-ONLY COPY).

The authoritative reference and input builder live on the scoring server;
editing this copy changes nothing except your own understanding.
"""

import jax, jax.numpy as jnp
import numpy as np

VOCAB = 100000
D = 64
N_TOKENS = 5
BATCH = 4096
SEQ = 200


def setup_inputs(seed: int = 0) -> dict:
    key = jax.random.key(seed)
    k1, k2 = jax.random.split(key)
    tokens = jax.random.randint(k1, (BATCH, SEQ), 0, VOCAB, dtype=jnp.int32)
    # learned params: embedding table (wte.weight), avg prefix param; var is a constant buffer
    table = jax.random.normal(k2, (VOCAB, D), dtype=jnp.float32) * 0.02
    avg = jnp.full((N_TOKENS, D), 0.1, dtype=jnp.float32)
    var = jnp.ones((N_TOKENS, D), dtype=jnp.float32) * 0.2
    return {"tokens": tokens, "table": table, "avg": avg, "var": var}


def reference(tokens, table, avg, var):
    # input_embedding = wte(tokens[:, n_tokens:])  -> embedding gather
    input_embedding = jnp.take(table, tokens[:, N_TOKENS:], axis=0)
    B = tokens.shape[0]
    # torch.normal(0, 1, size=(B, n_tokens, d)) -- fixed key for determinism
    sample = jax.random.normal(jax.random.key(1), (B, N_TOKENS, D), dtype=jnp.float32)
    prefix = sample * var[None, :, :] + avg[None, :, :]
    return jnp.concatenate([input_embedding, prefix], axis=1)

if __name__ == "__main__":
    import jax
    _d = setup_inputs()
    print(jax.jit(kernel)(*tuple(_d.values())))

</pallas_src>

<mosaic_0001>
#map = affine_map<(d0, d1) -> (0, 0)>
#map1 = affine_map<(d0, d1) -> (0, 0, 0)>
module attributes {stable_mosaic.version = 14 : i64} {
  func.func @k(%arg0: i32, %arg1: i32, %arg2: memref<4096x200xi32, #tpu.memory_space<hbm>>, %arg3: memref<100000x64xf32, #tpu.memory_space<hbm>>, %arg4: memref<4096x320xf32, #tpu.memory_space<hbm>>, %arg5: memref<5x64xf32, #tpu.memory_space<hbm>>, %arg6: memref<5x64xf32, #tpu.memory_space<hbm>>, %arg7: memref<4096x200x64xf32, #tpu.memory_space<hbm>>, %arg8: memref<128x200xi32, #tpu.memory_space<vmem>>, %arg9: memref<128x320xf32, #tpu.memory_space<vmem>>, %arg10: memref<205x64xf32, #tpu.memory_space<vmem>>, %arg11: memref<205x64xf32, #tpu.memory_space<vmem>>, %arg12: memref<5x64xf32, #tpu.memory_space<vmem>>, %arg13: memref<5x64xf32, #tpu.memory_space<vmem>>, %arg14: memref<!tpu.dma_semaphore, #tpu.memory_space<semaphore_mem>>, %arg15: memref<!tpu.dma_semaphore, #tpu.memory_space<semaphore_mem>>) attributes {dimension_semantics = [#tpu.dimension_semantics<core_parallel>, #tpu.dimension_semantics<subcore_parallel>], iteration_bounds = array<i64: 2, 16>, scalar_prefetch = 0 : i64, scratch_operands = 8 : i64, tpu.core_type = #tpu.core_type<sc_vector_subcore>, window_params = [{transform_indices = #map}, {transform_indices = #map}, {transform_indices = #map}, {transform_indices = #map}, {transform_indices = #map}, {transform_indices = #map1}]} {
    %mul3A = arith.constant 2 : i32
    %mul3A_0 = arith.muli %arg1, %mul3A : i32
    %add3A = arith.addi %mul3A_0, %arg0 : i32
    %mul3A_1 = arith.constant 128 : i32
    %mul3A_2 = arith.muli %add3A, %mul3A_1 : i32
    "tpu.region"() ({
      %run_scoped3A = tpu.sem_alloc : memref<!tpu.dma_semaphore, #tpu.memory_space<semaphore_mem>>
      tpu.enqueue_dma source(%arg5 : memref<5x64xf32, #tpu.memory_space<hbm>>) target(%arg12 : memref<5x64xf32, #tpu.memory_space<vmem>>) target_semaphore(%run_scoped3A : memref<!tpu.dma_semaphore, #tpu.memory_space<semaphore_mem>>)
      tpu.wait_dma2 semaphore(%run_scoped3A : memref<!tpu.dma_semaphore, #tpu.memory_space<semaphore_mem>>) src(%arg5 : memref<5x64xf32, #tpu.memory_space<hbm>>) dst(%arg12 : memref<5x64xf32, #tpu.memory_space<vmem>>)
      tpu.yield
    }) : () -> ()
    "tpu.region"() ({
      %run_scoped3A = tpu.sem_alloc : memref<!tpu.dma_semaphore, #tpu.memory_space<semaphore_mem>>
      tpu.enqueue_dma source(%arg6 : memref<5x64xf32, #tpu.memory_space<hbm>>) target(%arg13 : memref<5x64xf32, #tpu.memory_space<vmem>>) target_semaphore(%run_scoped3A : memref<!tpu.dma_semaphore, #tpu.memory_space<semaphore_mem>>)
      tpu.wait_dma2 semaphore(%run_scoped3A : memref<!tpu.dma_semaphore, #tpu.memory_space<semaphore_mem>>) src(%arg6 : memref<5x64xf32, #tpu.memory_space<hbm>>) dst(%arg13 : memref<5x64xf32, #tpu.memory_space<vmem>>)
      tpu.yield
    }) : () -> ()
    "tpu.region"() ({
      %run_scoped3A = tpu.sem_alloc : memref<!tpu.dma_semaphore, #tpu.memory_space<semaphore_mem>>
      %dma_start3A_27 = arith.constant 0 : i32
      %dma_start3A_28 = tpu.memref_slice %arg2[%mul3A_2, %dma_start3A_27] : memref<4096x200xi32, #tpu.memory_space<hbm>> -> memref<128x200xi32, #tpu.memory_space<hbm>>
      %dma_start3A_29 = arith.constant 0 : i32
      %dma_start3A_30 = tpu.memref_slice %arg2[%mul3A_2, %dma_start3A_29] : memref<4096x200xi32, #tpu.memory_space<hbm>> -> memref<128x200xi32, #tpu.memory_space<hbm>>
      tpu.enqueue_dma source(%dma_start3A_30 : memref<128x200xi32, #tpu.memory_space<hbm>>) target(%arg8 : memref<128x200xi32, #tpu.memory_space<vmem>>) target_semaphore(%run_scoped3A : memref<!tpu.dma_semaphore, #tpu.memory_space<semaphore_mem>>)
      %dma_wait3A = arith.constant 0 : i32
      %dma_wait3A_31 = tpu.memref_slice %arg2[%mul3A_2, %dma_wait3A] : memref<4096x200xi32, #tpu.memory_space<hbm>> -> memref<128x200xi32, #tpu.memory_space<hbm>>
      %dma_wait3A_32 = arith.constant 0 : i32
      %dma_wait3A_33 = tpu.memref_slice %arg2[%mul3A_2, %dma_wait3A_32] : memref<4096x200xi32, #tpu.memory_space<hbm>> -> memref<128x200xi32, #tpu.memory_space<hbm>>
      tpu.wait_dma2 semaphore(%run_scoped3A : memref<!tpu.dma_semaphore, #tpu.memory_space<semaphore_mem>>) src(%dma_wait3A_33 : memref<128x200xi32, #tpu.memory_space<hbm>>) dst(%arg8 : memref<128x200xi32, #tpu.memory_space<vmem>>)
      tpu.yield
    }) : () -> ()
    "tpu.region"() ({
      %run_scoped3A = tpu.sem_alloc : memref<!tpu.dma_semaphore, #tpu.memory_space<semaphore_mem>>
      %dma_start3A_27 = arith.constant 0 : i32
      %dma_start3A_28 = tpu.memref_slice %arg4[%mul3A_2, %dma_start3A_27] : memref<4096x320xf32, #tpu.memory_space<hbm>> -> memref<128x320xf32, #tpu.memory_space<hbm>>
      %dma_start3A_29 = arith.constant 0 : i32
      %dma_start3A_30 = tpu.memref_slice %arg4[%mul3A_2, %dma_start3A_29] : memref<4096x320xf32, #tpu.memory_space<hbm>> -> memref<128x320xf32, #tpu.memory_space<hbm>>
      tpu.enqueue_dma source(%dma_start3A_30 : memref<128x320xf32, #tpu.memory_space<hbm>>) target(%arg9 : memref<128x320xf32, #tpu.memory_space<vmem>>) target_semaphore(%run_scoped3A : memref<!tpu.dma_semaphore, #tpu.memory_space<semaphore_mem>>)
      %dma_wait3A = arith.constant 0 : i32
      %dma_wait3A_31 = tpu.memref_slice %arg4[%mul3A_2, %dma_wait3A] : memref<4096x320xf32, #tpu.memory_space<hbm>> -> memref<128x320xf32, #tpu.memory_space<hbm>>
      %dma_wait3A_32 = arith.constant 0 : i32
      %dma_wait3A_33 = tpu.memref_slice %arg4[%mul3A_2, %dma_wait3A_32] : memref<4096x320xf32, #tpu.memory_space<hbm>> -> memref<128x320xf32, #tpu.memory_space<hbm>>
      tpu.wait_dma2 semaphore(%run_scoped3A : memref<!tpu.dma_semaphore, #tpu.memory_space<semaphore_mem>>) src(%dma_wait3A_33 : memref<128x320xf32, #tpu.memory_space<hbm>>) dst(%arg9 : memref<128x320xf32, #tpu.memory_space<vmem>>)
      tpu.yield
    }) : () -> ()
    %dma_start3A = arith.constant 0 : i32
    %dma_start3A_3 = arith.constant 0 : i32
    %dma_start3A_4 = arith.constant 0 : i32
    %dma_start3A_5 = tpu.memref_slice %arg10[%dma_start3A_3, %dma_start3A_4] : memref<205x64xf32, #tpu.memory_space<vmem>> -> memref<128x64xf32, #tpu.memory_space<vmem>>
    %dma_start3A_6 = arith.constant 0 : i32
    %dma_start3A_7 = tpu.memref_slice %arg8[%dma_start3A, %dma_start3A_6] : memref<128x200xi32, #tpu.memory_space<vmem>> -> memref<1x128xi32, #tpu.memory_space<vmem>>
    %dma_start3A_8 = tpu.memref_squeeze %dma_start3A_7 : memref<1x128xi32, #tpu.memory_space<vmem>> -> memref<128xi32, #tpu.memory_space<vmem>>
    %dma_start3A_9 = arith.constant 0 : i32
    %dma_start3A_10 = arith.constant 0 : i32
    %dma_start3A_11 = tpu.memref_slice %arg3[%dma_start3A_9, %dma_start3A_10] : memref<100000x64xf32, #tpu.memory_space<hbm>> -> memref<100000x64xf32, #tpu.memory_space<hbm>>
    tpu.enqueue_indirect_dma source(%dma_start3A_11 : memref<100000x64xf32, #tpu.memory_space<hbm>>) target(%dma_start3A_5 : memref<128x64xf32, #tpu.memory_space<vmem>>) offsets(%dma_start3A_8 : memref<128xi32, #tpu.memory_space<vmem>>) semaphore(%arg14 : memref<!tpu.dma_semaphore, #tpu.memory_space<semaphore_mem>>)
    %dma_start3A_12 = arith.constant 0 : i32
    %dma_start3A_13 = arith.constant 128 : i32
    %dma_start3A_14 = arith.constant 0 : i32
    %dma_start3A_15 = tpu.memref_slice %arg10[%dma_start3A_13, %dma_start3A_14] : memref<205x64xf32, #tpu.memory_space<vmem>> -> memref<72x64xf32, #tpu.memory_space<vmem>>
    %dma_start3A_16 = arith.constant 128 : i32
    %dma_start3A_17 = tpu.memref_slice %arg8[%dma_start3A_12, %dma_start3A_16] : memref<128x200xi32, #tpu.memory_space<vmem>> -> memref<1x72xi32, #tpu.memory_space<vmem>>
    %dma_start3A_18 = tpu.memref_squeeze %dma_start3A_17 : memref<1x72xi32, #tpu.memory_space<vmem>> -> memref<72xi32, #tpu.memory_space<vmem>>
    %dma_start3A_19 = arith.constant 0 : i32
    %dma_start3A_20 = arith.constant 0 : i32
    %dma_start3A_21 = tpu.memref_slice %arg3[%dma_start3A_19, %dma_start3A_20] : memref<100000x64xf32, #tpu.memory_space<hbm>> -> memref<100000x64xf32, #tpu.memory_space<hbm>>
    tpu.enqueue_indirect_dma source(%dma_start3A_21 : memref<100000x64xf32, #tpu.memory_space<hbm>>) target(%dma_start3A_15 : memref<72x64xf32, #tpu.memory_space<vmem>>) offsets(%dma_start3A_18 : memref<72xi32, #tpu.memory_space<vmem>>) semaphore(%arg14 : memref<!tpu.dma_semaphore, #tpu.memory_space<semaphore_mem>>)
    %scan3A = arith.constant 0 : i32
    %scan3A_22 = arith.constant 0 : i32
    %scan3A_23 = arith.constant 64 : i32
    %scan3A_24 = arith.addi %scan3A_22, %scan3A_23 : i32
    %scan3A_25 = arith.constant 1 : i32
    scf.for %scan3A_27 = %scan3A_22 to %scan3A_24 step %scan3A_25  : i32 {
      %mul3A_28 = arith.constant 2 : i32
      %mul3A_29 = arith.muli %mul3A_28, %scan3A_27 : i32
      %add3A_30 = arith.constant 1 : i32
      %add3A_31 = arith.addi %mul3A_29, %add3A_30 : i32
      %dma_start3A_32 = arith.constant 0 : i32
      %dma_start3A_33 = arith.constant 0 : i32
      %dma_start3A_34 = tpu.memref_slice %arg11[%dma_start3A_32, %dma_start3A_33] : memref<205x64xf32, #tpu.memory_space<vmem>> -> memref<128x64xf32, #tpu.memory_space<vmem>>
      %dma_start3A_35 = arith.constant 0 : i32
      %dma_start3A_36 = tpu.memref_slice %arg8[%add3A_31, %dma_start3A_35] : memref<128x200xi32, #tpu.memory_space<vmem>> -> memref<1x128xi32, #tpu.memory_space<vmem>>
      %dma_start3A_37 = tpu.memref_squeeze %dma_start3A_36 : memref<1x128xi32, #tpu.memory_space<vmem>> -> memref<128xi32, #tpu.memory_space<vmem>>
      %dma_start3A_38 = arith.constant 0 : i32
      %dma_start3A_39 = arith.constant 0 : i32
      %dma_start3A_40 = tpu.memref_slice %arg3[%dma_start3A_38, %dma_start3A_39] : memref<100000x64xf32, #tpu.memory_space<hbm>> -> memref<100000x64xf32, #tpu.memory_space<hbm>>
      tpu.enqueue_indirect_dma source(%dma_start3A_40 : memref<100000x64xf32, #tpu.memory_space<hbm>>) target(%dma_start3A_34 : memref<128x64xf32, #tpu.memory_space<vmem>>) offsets(%dma_start3A_37 : memref<128xi32, #tpu.memory_space<vmem>>) semaphore(%arg15 : memref<!tpu.dma_semaphore, #tpu.memory_space<semaphore_mem>>)
      %dma_start3A_41 = arith.constant 128 : i32
      %dma_start3A_42 = arith.constant 0 : i32
      %dma_start3A_43 = tpu.memref_slice %arg11[%dma_start3A_41, %dma_start3A_42] : memref<205x64xf32, #tpu.memory_space<vmem>> -> memref<72x64xf32, #tpu.memory_space<vmem>>
      %dma_start3A_44 = arith.constant 128 : i32
      %dma_start3A_45 = tpu.memref_slice %arg8[%add3A_31, %dma_start3A_44] : memref<128x200xi32, #tpu.memory_space<vmem>> -> memref<1x72xi32, #tpu.memory_space<vmem>>
      %dma_start3A_46 = tpu.memref_squeeze %dma_start3A_45 : memref<1x72xi32, #tpu.memory_space<vmem>> -> memref<72xi32, #tpu.memory_space<vmem>>
      %dma_start3A_47 = arith.constant 0 : i32
      %dma_start3A_48 = arith.constant 0 : i32
      %dma_start3A_49 = tpu.memref_slice %arg3[%dma_start3A_47, %dma_start3A_48] : memref<100000x64xf32, #tpu.memory_space<hbm>> -> memref<100000x64xf32, #tpu.memory_space<hbm>>
      tpu.enqueue_indirect_dma source(%dma_start3A_49 : memref<100000x64xf32, #tpu.memory_space<hbm>>) target(%dma_start3A_43 : memref<72x64xf32, #tpu.memory_space<vmem>>) offsets(%dma_start3A_46 : memref<72xi32, #tpu.memory_space<vmem>>) semaphore(%arg15 : memref<!tpu.dma_semaphore, #tpu.memory_space<semaphore_mem>>)
      %get3A = arith.index_cast %mul3A_29 : i32 to index
      %get3A_50 = arith.constant 0 : index
      %get3A_51 = tpu.vector_load %arg9[%get3A, %get3A_50] {strides = array<i32>} : memref<128x320xf32, #tpu.memory_space<vmem>>, vector<1x16xf32>,
      %get3A_52 = vector.shape_cast %get3A_51 : vector<1x16xf32> to vector<16xf32>
      %get3A_53 = arith.constant 0 : i32
      %get3A_54 = arith.index_cast %get3A_53 : i32 to index
      %get3A_55 = arith.constant 0 : index
      %get3A_56 = tpu.vector_load %arg12[%get3A_54, %get3A_55] {strides = array<i32>} : memref<5x64xf32, #tpu.memory_space<vmem>>, vector<1x16xf32>,
      %get3A_57 = vector.shape_cast %get3A_56 : vector<1x16xf32> to vector<16xf32>
      %mul3A_58 = arith.mulf %get3A_52, %get3A_57 : vector<16xf32>
      %get3A_59 = arith.constant 0 : i32
      %get3A_60 = arith.index_cast %get3A_59 : i32 to index
      %get3A_61 = arith.constant 0 : index
      %get3A_62 = tpu.vector_load %arg13[%get3A_60, %get3A_61] {strides = array<i32>} : memref<5x64xf32, #tpu.memory_space<vmem>>, vector<1x16xf32>,
      %get3A_63 = vector.shape_cast %get3A_62 : vector<1x16xf32> to vector<16xf32>
      %add3A_64 = arith.addf %mul3A_58, %get3A_63 : vector<16xf32>
      %swap3A = arith.constant 200 : i32
      %swap3A_65 = arith.index_cast %swap3A : i32 to index
      %swap3A_66 = arith.constant 0 : index
      %swap3A_67 = tpu.vector_load %arg10[%swap3A_65, %swap3A_66] {strides = array<i32>} : memref<205x64xf32, #tpu.memory_space<vmem>>, vector<1x16xf32>,
      %swap3A_68 = vector.shape_cast %swap3A_67 : vector<1x16xf32> to vector<16xf32>
      %swap3A_69 = vector.shape_cast %add3A_64 : vector<16xf32> to vector<1x16xf32>
      tpu.vector_store %arg10[%swap3A_65, %swap3A_66], %swap3A_69 {strides = array<i32>} : memref<205x64xf32, #tpu.memory_space<vmem>>, vector<1x16xf32>,
      %get3A_70 = arith.index_cast %mul3A_29 : i32 to index
      %get3A_71 = arith.constant 16 : index
      %get3A_72 = tpu.vector_load %arg9[%get3A_70, %get3A_71] {strides = array<i32>} : memref<128x320xf32, #tpu.memory_space<vmem>>, vector<1x16xf32>,
      %get3A_73 = vector.shape_cast %get3A_72 : vector<1x16xf32> to vector<16xf32>
      %get3A_74 = arith.constant 0 : i32
      %get3A_75 = arith.index_cast %get3A_74 : i32 to index
      %get3A_76 = arith.constant 16 : index
      %get3A_77 = tpu.vector_load %arg12[%get3A_75, %get3A_76] {strides = array<i32>} : memref<5x64xf32, #tpu.memory_space<vmem>>, vector<1x16xf32>,
      %get3A_78 = vector.shape_cast %get3A_77 : vector<1x16xf32> to vector<16xf32>
      %mul3A_79 = arith.mulf %get3A_73, %get3A_78 : vector<16xf32>
      %get3A_80 = arith.constant 0 : i32
      %get3A_81 = arith.index_cast %get3A_80 : i32 to index
      %get3A_82 = arith.constant 16 : index
      %get3A_83 = tpu.vector_load %arg13[%get3A_81, %get3A_82] {strides = array<i32>} : memref<5x64xf32, #tpu.memory_space<vmem>>, vector<1x16xf32>,
      %get3A_84 = vector.shape_cast %get3A_83 : vector<1x16xf32> to vector<16xf32>
      %add3A_85 = arith.addf %mul3A_79, %get3A_84 : vector<16xf32>
      %swap3A_86 = arith.constant 200 : i32
      %swap3A_87 = arith.index_cast %swap3A_86 : i32 to index
      %swap3A_88 = arith.constant 16 : index
      %swap3A_89 = tpu.vector_load %arg10[%swap3A_87, %swap3A_88] {strides = array<i32>} : memref<205x64xf32, #tpu.memory_space<vmem>>, vector<1x16xf32>,
      %swap3A_90 = vector.shape_cast %swap3A_89 : vector<1x16xf32> to vector<16xf32>
      %swap3A_91 = vector.shape_cast %add3A_85 : vector<16xf32> to vector<1x16xf32>
      tpu.vector_store %arg10[%swap3A_87, %swap3A_88], %swap3A_91 {strides = array<i32>} : memref<205x64xf32, #tpu.memory_space<vmem>>, vector<1x16xf32>,
      %get3A_92 = arith.index_cast %mul3A_29 : i32 to index
      %get3A_93 = arith.constant 32 : index
      %get3A_94 = tpu.vector_load %arg9[%get3A_92, %get3A_93] {strides = array<i32>} : memref<128x320xf32, #tpu.memory_space<vmem>>, vector<1x16xf32>,
      %get3A_95 = vector.shape_cast %get3A_94 : vector<1x16xf32> to vector<16xf32>
      %get3A_96 = arith.constant 0 : i32
      %get3A_97 = arith.index_cast %get3A_96 : i32 to index
      %get3A_98 = arith.constant 32 : index
      %get3A_99 = tpu.vector_load %arg12[%get3A_97, %get3A_98] {strides = array<i32>} : memref<5x64xf32, #tpu.memory_space<vmem>>, vector<1x16xf32>,
      %get3A_100 = vector.shape_cast %get3A_99 : vector<1x16xf32> to vector<16xf32>
      %mul3A_101 = arith.mulf %get3A_95, %get3A_100 : vector<16xf32>
      %get3A_102 = arith.constant 0 : i32
      %get3A_103 = arith.index_cast %get3A_102 : i32 to index
      %get3A_104 = arith.constant 32 : index
      %get3A_105 = tpu.vector_load %arg13[%get3A_103, %get3A_104] {strides = array<i32>} : memref<5x64xf32, #tpu.memory_space<vmem>>, vector<1x16xf32>,
      %get3A_106 = vector.shape_cast %get3A_105 : vector<1x16xf32> to vector<16xf32>
      %add3A_107 = arith.addf %mul3A_101, %get3A_106 : vector<16xf32>
      %swap3A_108 = arith.constant 200 : i32
      %swap3A_109 = arith.index_cast %swap3A_108 : i32 to index
      %swap3A_110 = arith.constant 32 : index
      %swap3A_111 = tpu.vector_load %arg10[%swap3A_109, %swap3A_110] {strides = array<i32>} : memref<205x64xf32, #tpu.memory_space<vmem>>, vector<1x16xf32>,
      %swap3A_112 = vector.shape_cast %swap3A_111 : vector<1x16xf32> to vector<16xf32>
      %swap3A_113 = vector.shape_cast %add3A_107 : vector<16xf32> to vector<1x16xf32>
      tpu.vector_store %arg10[%swap3A_109, %swap3A_110], %swap3A_113 {strides = array<i32>} : memref<205x64xf32, #tpu.memory_space<vmem>>, vector<1x16xf32>,
      %get3A_114 = arith.index_cast %mul3A_29 : i32 to index
      %get3A_115 = arith.constant 48 : index
      %get3A_116 = tpu.vector_load %arg9[%get3A_114, %get3A_115] {strides = array<i32>} : memref<128x320xf32, #tpu.memory_space<vmem>>, vector<1x16xf32>,
      %get3A_117 = vector.shape_cast %get3A_116 : vector<1x16xf32> to vector<16xf32>
      %get3A_118 = arith.constant 0 : i32
      %get3A_119 = arith.index_cast %get3A_118 : i32 to index
      %get3A_120 = arith.constant 48 : index
      %get3A_121 = tpu.vector_load %arg12[%get3A_119, %get3A_120] {strides = array<i32>} : memref<5x64xf32, #tpu.memory_space<vmem>>, vector<1x16xf32>,
      %get3A_122 = vector.shape_cast %get3A_121 : vector<1x16xf32> to vector<16xf32>
      %mul3A_123 = arith.mulf %get3A_117, %get3A_122 : vector<16xf32>
      %get3A_124 = arith.constant 0 : i32
      %get3A_125 = arith.index_cast %get3A_124 : i32 to index
      %get3A_126 = arith.constant 48 : index
      %get3A_127 = tpu.vector_load %arg13[%get3A_125, %get3A_126] {strides = array<i32>} : memref<5x64xf32, #tpu.memory_space<vmem>>, vector<1x16xf32>,
      %get3A_128 = vector.shape_cast %get3A_127 : vector<1x16xf32> to vector<16xf32>
      %add3A_129 = arith.addf %mul3A_123, %get3A_128 : vector<16xf32>
      %swap3A_130 = arith.constant 200 : i32
      %swap3A_131 = arith.index_cast %swap3A_130 : i32 to index
      %swap3A_132 = arith.constant 48 : index
      %swap3A_133 = tpu.vector_load %arg10[%swap3A_131, %swap3A_132] {strides = array<i32>} : memref<205x64xf32, #tpu.memory_space<vmem>>, vector<1x16xf32>,
      %swap3A_134 = vector.shape_cast %swap3A_133 : vector<1x16xf32> to vector<16xf32>
      %swap3A_135 = vector.shape_cast %add3A_129 : vector<16xf32> to vector<1x16xf32>
      tpu.vector_store %arg10[%swap3A_131, %swap3A_132], %swap3A_135 {strides = array<i32>} : memref<205x64xf32, #tpu.memory_space<vmem>>, vector<1x16xf32>,
      %get3A_136 = arith.index_cast %mul3A_29 : i32 to index
      %get3A_137 = arith.constant 64 : index
      %get3A_138 = tpu.vector_load %arg9[%get3A_136, %get3A_137] {strides = array<i32>} : memref<128x320xf32, #tpu.memory_space<vmem>>, vector<1x16xf32>,
      %get3A_139 = vector.shape_cast %get3A_138 : vector<1x16xf32> to vector<16xf32>
      %get3A_140 = arith.constant 1 : i32
      %get3A_141 = arith.index_cast %get3A_140 : i32 to index
      %get3A_142 = arith.constant 0 : index
      %get3A_143 = tpu.vector_load %arg12[%get3A_141, %get3A_142] {strides = array<i32>} : memref<5x64xf32, #tpu.memory_space<vmem>>, vector<1x16xf32>,
      %get3A_144 = vector.shape_cast %get3A_143 : vector<1x16xf32> to vector<16xf32>
      %mul3A_145 = arith.mulf %get3A_139, %get3A_144 : vector<16xf32>
      %get3A_146 = arith.constant 1 : i32
      %get3A_147 = arith.index_cast %get3A_146 : i32 to index
      %get3A_148 = arith.constant 0 : index
      %get3A_149 = tpu.vector_load %arg13[%get3A_147, %get3A_148] {strides = array<i32>} : memref<5x64xf32, #tpu.memory_space<vmem>>, vector<1x16xf32>,
      %get3A_150 = vector.shape_cast %get3A_149 : vector<1x16xf32> to vector<16xf32>
      %add3A_151 = arith.addf %mul3A_145, %get3A_150 : vector<16xf32>
      %swap3A_152 = arith.constant 201 : i32
      %swap3A_153 = arith.index_cast %swap3A_152 : i32 to index
      %swap3A_154 = arith.constant 0 : index
      %swap3A_155 = tpu.vector_load %arg10[%swap3A_153, %swap3A_154] {strides = array<i32>} : memref<205x64xf32, #tpu.memory_space<vmem>>, vector<1x16xf32>,
      %swap3A_156 = vector.shape_cast %swap3A_155 : vector<1x16xf32> to vector<16xf32>
      %swap3A_157 = vector.shape_cast %add3A_151 : vector<16xf32> to vector<1x16xf32>
      tpu.vector_store %arg10[%swap3A_153, %swap3A_154], %swap3A_157 {strides = array<i32>} : memref<205x64xf32, #tpu.memory_space<vmem>>, vector<1x16xf32>,
      %get3A_158 = arith.index_cast %mul3A_29 : i32 to index
      %get3A_159 = arith.constant 80 : index
      %get3A_160 = tpu.vector_load %arg9[%get3A_158, %get3A_159] {strides = array<i32>} : memref<128x320xf32, #tpu.memory_space<vmem>>, vector<1x16xf32>,
      %get3A_161 = vector.shape_cast %get3A_160 : vector<1x16xf32> to vector<16xf32>
      %get3A_162 = arith.constant 1 : i32
      %get3A_163 = arith.index_cast %get3A_162 : i32 to index
      %get3A_164 = arith.constant 16 : index
      %get3A_165 = tpu.vector_load %arg12[%get3A_163, %get3A_164] {strides = array<i32>} : memref<5x64xf32, #tpu.memory_space<vmem>>, vector<1x16xf32>,
      %get3A_166 = vector.shape_cast %get3A_165 : vector<1x16xf32> to vector<16xf32>
      %mul3A_167 = arith.mulf %get3A_161, %get3A_166 : vector<16xf32>
      %get3A_168 = arith.constant 1 : i32
      %get3A_169 = arith.index_cast %get3A_168 : i32 to index
      %get3A_170 = arith.constant 16 : index
      %get3A_171 = tpu.vector_load %arg13[%get3A_169, %get3A_170] {strides = array<i32>} : memref<5x64xf32, #tpu.memory_space<vmem>>, vector<1x16xf32>,
      %get3A_172 = vector.shape_cast %get3A_171 : vector<1x16xf32> to vector<16xf32>
      %add3A_173 = arith.addf %mul3A_167, %get3A_172 : vector<16xf32>
      %swap3A_174 = arith.constant 201 : i32
      %swap3A_175 = arith.index_cast %swap3A_174 : i32 to index
      %swap3A_176 = arith.constant 16 : index
      %swap3A_177 = tpu.vector_load %arg10[%swap3A_175, %swap3A_176] {strides = array<i32>} : memref<205x64xf32, #tpu.memory_space<vmem>>, vector<1x16xf32>,
      %swap3A_178 = vector.shape_cast %swap3A_177 : vector<1x16xf32> to vector<16xf32>
      %swap3A_179 = vector.shape_cast %add3A_173 : vector<16xf32> to vector<1x16xf32>
      tpu.vector_store %arg10[%swap3A_175, %swap3A_176], %swap3A_179 {strides = array<i32>} : memref<205x64xf32, #tpu.memory_space<vmem>>, vector<1x16xf32>,
      %get3A_180 = arith.index_cast %mul3A_29 : i32 to index
      %get3A_181 = arith.constant 96 : index
      %get3A_182 = tpu.vector_load %arg9[%get3A_180, %get3A_181] {strides = array<i32>} : memref<128x320xf32, #tpu.memory_space<vmem>>, vector<1x16xf32>,
      %get3A_183 = vector.shape_cast %get3A_182 : vector<1x16xf32> to vector<16xf32>
      %get3A_184 = arith.constant 1 : i32
      %get3A_185 = arith.index_cast %get3A_184 : i32 to index
      %get3A_186 = arith.constant 32 : index
      %get3A_187 = tpu.vector_load %arg12[%get3A_185, %get3A_186] {strides = array<i32>} : memref<5x64xf32, #tpu.memory_space<vmem>>, vector<1x16xf32>,
      %get3A_188 = vector.shape_cast %get3A_187 : vector<1x16xf32> to vector<16xf32>
      %mul3A_189 = arith.mulf %get3A_183, %get3A_188 : vector<16xf32>
      %get3A_190 = arith.constant 1 : i32
      %get3A_191 = arith.index_cast %get3A_190 : i32 to index
      %get3A_192 = arith.constant 32 : index
      %get3A_193 = tpu.vector_load %arg13[%get3A_191, %get3A_192] {strides = array<i32>} : memref<5x64xf32, #tpu.memory_space<vmem>>, vector<1x16xf32>,
      %get3A_194 = vector.shape_cast %get3A_193 : vector<1x16xf32> to vector<16xf32>
      %add3A_195 = arith.addf %mul3A_189, %get3A_194 : vector<16xf32>
      %swap3A_196 = arith.constant 201 : i32
      %swap3A_197 = arith.index_cast %swap3A_196 : i32 to index
      %swap3A_198 = arith.constant 32 : index
      %swap3A_199 = tpu.vector_load %arg10[%swap3A_197, %swap3A_198] {strides = array<i32>} : memref<205x64xf32, #tpu.memory_space<vmem>>, vector<1x16xf32>,
      %swap3A_200 = vector.shape_cast %swap3A_199 : vector<1x16xf32> to vector<16xf32>
      %swap3A_201 = vector.shape_cast %add3A_195 : vector<16xf32> to vector<1x16xf32>
      tpu.vector_store %arg10[%swap3A_197, %swap3A_198], %swap3A_201 {strides = array<i32>} : memref<205x64xf32, #tpu.memory_space<vmem>>, vector<1x16xf32>,
      %get3A_202 = arith.index_cast %mul3A_29 : i32 to index
      %get3A_203 = arith.constant 112 : index
      %get3A_204 = tpu.vector_load %arg9[%get3A_202, %get3A_203] {strides = array<i32>} : memref<128x320xf32, #tpu.memory_space<vmem>>, vector<1x16xf32>,
      %get3A_205 = vector.shape_cast %get3A_204 : vector<1x16xf32> to vector<16xf32>
      %get3A_206 = arith.constant 1 : i32
      %get3A_207 = arith.index_cast %get3A_206 : i32 to index
      %get3A_208 = arith.constant 48 : index
      %get3A_209 = tpu.vector_load %arg12[%get3A_207, %get3A_208] {strides = array<i32>} : memref<5x64xf32, #tpu.memory_space<vmem>>, vector<1x16xf32>,
      %get3A_210 = vector.shape_cast %get3A_209 : vector<1x16xf32> to vector<16xf32>
      %mul3A_211 = arith.mulf %get3A_205, %get3A_210 : vector<16xf32>
      %get3A_212 = arith.constant 1 : i32
      %get3A_213 = arith.index_cast %get3A_212 : i32 to index
      %get3A_214 = arith.constant 48 : index
      %get3A_215 = tpu.vector_load %arg13[%get3A_213, %get3A_214] {strides = array<i32>} : memref<5x64xf32, #tpu.memory_space<vmem>>, vector<1x16xf32>,
      %get3A_216 = vector.shape_cast %get3A_215 : vector<1x16xf32> to vector<16xf32>
      %add3A_217 = arith.addf %mul3A_211, %get3A_216 : vector<16xf32>
      %swap3A_218 = arith.constant 201 : i32
      %swap3A_219 = arith.index_cast %swap3A_218 : i32 to index
      %swap3A_220 = arith.constant 48 : index
      %swap3A_221 = tpu.vector_load %arg10[%swap3A_219, %swap3A_220] {strides = array<i32>} : memref<205x64xf32, #tpu.memory_space<vmem>>, vector<1x16xf32>,
      %swap3A_222 = vector.shape_cast %swap3A_221 : vector<1x16xf32> to vector<16xf32>
      %swap3A_223 = vector.shape_cast %add3A_217 : vector<16xf32> to vector<1x16xf32>
      tpu.vector_store %arg10[%swap3A_219, %swap3A_220], %swap3A_223 {strides = array<i32>} : memref<205x64xf32, #tpu.memory_space<vmem>>, vector<1x16xf32>,
      %get3A_224 = arith.index_cast %mul3A_29 : i32 to index
      %get3A_225 = arith.constant 128 : index
      %get3A_226 = tpu.vector_load %arg9[%get3A_224, %get3A_225] {strides = array<i32>} : memref<128x320xf32, #tpu.memory_space<vmem>>, vector<1x16xf32>,
      %get3A_227 = vector.shape_cast %get3A_226 : vector<1x16xf32> to vector<16xf32>
      %get3A_228 = arith.constant 2 : i32
      %get3A_229 = arith.index_cast %get3A_228 : i32 to index
      %get3A_230 = arith.constant 0 : index
      %get3A_231 = tpu.vector_load %arg12[%get3A_229, %get3A_230] {strides = array<i32>} : memref<5x64xf32, #tpu.memory_space<vmem>>, vector<1x16xf32>,
      %get3A_232 = vector.shape_cast %get3A_231 : vector<1x16xf32> to vector<16xf32>
      %mul3A_233 = arith.mulf %get3A_227, %get3A_232 : vector<16xf32>
      %get3A_234 = arith.constant 2 : i32
      %get3A_235 = arith.index_cast %get3A_234 : i32 to index
      %get3A_236 = arith.constant 0 : index
      %get3A_237 = tpu.vector_load %arg13[%get3A_235, %get3A_236] {strides = array<i32>} : memref<5x64xf32, #tpu.memory_space<vmem>>, vector<1x16xf32>,
      %get3A_238 = vector.shape_cast %get3A_237 : vector<1x16xf32> to vector<16xf32>
      %add3A_239 = arith.addf %mul3A_233, %get3A_238 : vector<16xf32>
      %swap3A_240 = arith.constant 202 : i32
      %swap3A_241 = arith.index_cast %swap3A_240 : i32 to index
      %swap3A_242 = arith.constant 0 : index
      %swap3A_243 = tpu.vector_load %arg10[%swap3A_241, %swap3A_242] {strides = array<i32>} : memref<205x64xf32, #tpu.memory_space<vmem>>, vector<1x16xf32>,
      %swap3A_244 = vector.shape_cast %swap3A_243 : vector<1x16xf32> to vector<16xf32>
      %swap3A_245 = vector.shape_cast %add3A_239 : vector<16xf32> to vector<1x16xf32>
      tpu.vector_store %arg10[%swap3A_241, %swap3A_242], %swap3A_245 {strides = array<i32>} : memref<205x64xf32, #tpu.memory_space<vmem>>, vector<1x16xf32>,
      %get3A_246 = arith.index_cast %mul3A_29 : i32 to index
      %get3A_247 = arith.constant 144 : index
      %get3A_248 = tpu.vector_load %arg9[%get3A_246, %get3A_247] {strides = array<i32>} : memref<128x320xf32, #tpu.memory_space<vmem>>, vector<1x16xf32>,
      %get3A_249 = vector.shape_cast %get3A_248 : vector<1x16xf32> to vector<16xf32>
      %get3A_250 = arith.constant 2 : i32
      %get3A_251 = arith.index_cast %get3A_250 : i32 to index
      %get3A_252 = arith.constant 16 : index
      %get3A_253 = tpu.vector_load %arg12[%get3A_251, %get3A_252] {strides = array<i32>} : memref<5x64xf32, #tpu.memory_space<vmem>>, vector<1x16xf32>,
      %get3A_254 = vector.shape_cast %get3A_253 : vector<1x16xf32> to vector<16xf32>
      %mul3A_255 = arith.mulf %get3A_249, %get3A_254 : vector<16xf32>
      %get3A_256 = arith.constant 2 : i32
      %get3A_257 = arith.index_cast %get3A_256 : i32 to index
      %get3A_258 = arith.constant 16 : index
      %get3A_259 = tpu.vector_load %arg13[%get3A_257, %get3A_258] {strides = array<i32>} : memref<5x64xf32, #tpu.memory_space<vmem>>, vector<1x16xf32>,
      %get3A_260 = vector.shape_cast %get3A_259 : vector<1x16xf32> to vector<16xf32>
      %add3A_261 = arith.addf %mul3A_255, %get3A_260 : vector<16xf32>
      %swap3A_262 = arith.constant 202 : i32
      %swap3A_263 = arith.index_cast %swap3A_262 : i32 to index
      %swap3A_264 = arith.constant 16 : index
      %swap3A_265 = tpu.vector_load %arg10[%swap3A_263, %swap3A_264] {strides = array<i32>} : memref<205x64xf32, #tpu.memory_space<vmem>>, vector<1x16xf32>,
      %swap3A_266 = vector.shape_cast %swap3A_265 : vector<1x16xf32> to vector<16xf32>
      %swap3A_267 = vector.shape_cast %add3A_261 : vector<16xf32> to vector<1x16xf32>
      tpu.vector_store %arg10[%swap3A_263, %swap3A_264], %swap3A_267 {strides = array<i32>} : memref<205x64xf32, #tpu.memory_space<vmem>>, vector<1x16xf32>,
      %get3A_268 = arith.index_cast %mul3A_29 : i32 to index
      %get3A_269 = arith.constant 160 : index
      %get3A_270 = tpu.vector_load %arg9[%get3A_268, %get3A_269] {strides = array<i32>} : memref<128x320xf32, #tpu.memory_space<vmem>>, vector<1x16xf32>,
      %get3A_271 = vector.shape_cast %get3A_270 : vector<1x16xf32> to vector<16xf32>
      %get3A_272 = arith.constant 2 : i32
      %get3A_273 = arith.index_cast %get3A_272 : i32 to index
      %get3A_274 = arith.constant 32 : index
      %get3A_275 = tpu.vector_load %arg12[%get3A_273, %get3A_274] {strides = array<i32>} : memref<5x64xf32, #tpu.memory_space<vmem>>, vector<1x16xf32>,
      %get3A_276 = vector.shape_cast %get3A_275 : vector<1x16xf32> to vector<16xf32>
      %mul3A_277 = arith.mulf %get3A_271, %get3A_276 : vector<16xf32>
      %get3A_278 = arith.constant 2 : i32
      %get3A_279 = arith.index_cast %get3A_278 : i32 to index
      %get3A_280 = arith.constant 32 : index
      %get3A_281 = tpu.vector_load %arg13[%get3A_279, %get3A_280] {strides = array<i32>} : memref<5x64xf32, #tpu.memory_space<vmem>>, vector<1x16xf32>,
      %get3A_282 = vector.shape_cast %get3A_281 : vector<1x16xf32> to vector<16xf32>
      %add3A_283 = arith.addf %mul3A_277, %get3A_282 : vector<16xf32>
      %swap3A_284 = arith.constant 202 : i32
      %swap3A_285 = arith.index_cast %swap3A_284 : i32 to index
      %swap3A_286 = arith.constant 32 : index
      %swap3A_287 = tpu.vector_load %arg10[%swap3A_285, %swap3A_286] {strides = array<i32>} : memref<205x64xf32, #tpu.memory_space<vmem>>, vector<1x16xf32>,
      %swap3A_288 = vector.shape_cast %swap3A_287 : vector<1x16xf32> to vector<16xf32>
      %swap3A_289 = vector.shape_cast %add3A_283 : vector<16xf32> to vector<1x16xf32>
      tpu.vector_store %arg10[%swap3A_285, %swap3A_286], %swap3A_289 {strides = array<i32>} : memref<205x64xf32, #tpu.memory_space<vmem>>, vector<1x16xf32>,
      %get3A_290 = arith.index_cast %mul3A_29 : i32 to index
      %get3A_291 = arith.constant 176 : index
      %get3A_292 = tpu.vector_load %arg9[%get3A_290, %get3A_291] {strides = array<i32>} : memref<128x320xf32, #tpu.memory_space<vmem>>, vector<1x16xf32>,
      %get3A_293 = vector.shape_cast %get3A_292 : vector<1x16xf32> to vector<16xf32>
      %get3A_294 = arith.constant 2 : i32
      %get3A_295 = arith.index_cast %get3A_294 : i32 to index
      %get3A_296 = arith.constant 48 : index
      %get3A_297 = tpu.vector_load %arg12[%get3A_295, %get3A_296] {strides = array<i32>} : memref<5x64xf32, #tpu.memory_space<vmem>>, vector<1x16xf32>,
      %get3A_298 = vector.shape_cast %get3A_297 : vector<1x16xf32> to vector<16xf32>
      %mul3A_299 = arith.mulf %get3A_293, %get3A_298 : vector<16xf32>
      %get3A_300 = arith.constant 2 : i32
      %get3A_301 = arith.index_cast %get3A_300 : i32 to index
      %get3A_302 = arith.constant 48 : index
      %get3A_303 = tpu.vector_load %arg13[%get3A_301, %get3A_302] {strides = array<i32>} : memref<5x64xf32, #tpu.memory_space<vmem>>, vector<1x16xf32>,
      %get3A_304 = vector.shape_cast %get3A_303 : vector<1x16xf32> to vector<16xf32>
      %add3A_305 = arith.addf %mul3A_299, %get3A_304 : vector<16xf32>
      %swap3A_306 = arith.constant 202 : i32
      %swap3A_307 = arith.index_cast %swap3A_306 : i32 to index
      %swap3A_308 = arith.constant 48 : index
      %swap3A_309 = tpu.vector_load %arg10[%swap3A_307, %swap3A_308] {strides = array<i32>} : memref<205x64xf32, #tpu.memory_space<vmem>>, vector<1x16xf32>,
      %swap3A_310 = vector.shape_cast %swap3A_309 : vector<1x16xf32> to vector<16xf32>
      %swap3A_311 = vector.shape_cast %add3A_305 : vector<16xf32> to vector<1x16xf32>
      tpu.vector_store %arg10[%swap3A_307, %swap3A_308], %swap3A_311 {strides = array<i32>} : memref<205x64xf32, #tpu.memory_space<vmem>>, vector<1x16xf32>,
      %get3A_312 = arith.index_cast %mul3A_29 : i32 to index
      %get3A_313 = arith.constant 192 : index
      %get3A_314 = tpu.vector_load %arg9[%get3A_312, %get3A_313] {strides = array<i32>} : memref<128x320xf32, #tpu.memory_space<vmem>>, vector<1x16xf32>,
      %get3A_315 = vector.shape_cast %get3A_314 : vector<1x16xf32> to vector<16xf32>
      %get3A_316 = arith.constant 3 : i32
      %get3A_317 = arith.index_cast %get3A_316 : i32 to index
      %get3A_318 = arith.constant 0 : index
      %get3A_319 = tpu.vector_load %arg12[%get3A_317, %get3A_318] {strides = array<i32>} : memref<5x64xf32, #tpu.memory_space<vmem>>, vector<1x16xf32>,
      %get3A_320 = vector.shape_cast %get3A_319 : vector<1x16xf32> to vector<16xf32>
      %mul3A_321 = arith.mulf %get3A_315, %get3A_320 : vector<16xf32>
      %get3A_322 = arith.constant 3 : i32
      %get3A_323 = arith.index_cast %get3A_322 : i32 to index
      %get3A_324 = arith.constant 0 : index
      %get3A_325 = tpu.vector_load %arg13[%get3A_323, %get3A_324] {strides = array<i32>} : memref<5x64xf32, #tpu.memory_space<vmem>>, vector<1x16xf32>,
      %get3A_326 = vector.shape_cast %get3A_325 : vector<1x16xf32> to vector<16xf32>
      %add3A_327 = arith.addf %mul3A_321, %get3A_326 : vector<16xf32>
      %swap3A_328 = arith.constant 203 : i32
      %swap3A_329 = arith.index_cast %swap3A_328 : i32 to index
      %swap3A_330 = arith.constant 0 : index
      %swap3A_331 = tpu.vector_load %arg10[%swap3A_329, %swap3A_330] {strides = array<i32>} : memref<205x64xf32, #tpu.memory_space<vmem>>, vector<1x16xf32>,
      %swap3A_332 = vector.shape_cast %swap3A_331 : vector<1x16xf32> to vector<16xf32>
      %swap3A_333 = vector.shape_cast %add3A_327 : vector<16xf32> to vector<1x16xf32>
      tpu.vector_store %arg10[%swap3A_329, %swap3A_330], %swap3A_333 {strides = array<i32>} : memref<205x64xf32, #tpu.memory_space<vmem>>, vector<1x16xf32>,
      %get3A_334 = arith.index_cast %mul3A_29 : i32 to index
      %get3A_335 = arith.constant 208 : index
      %get3A_336 = tpu.vector_load %arg9[%get3A_334, %get3A_335] {strides = array<i32>} : memref<128x320xf32, #tpu.memory_space<vmem>>, vector<1x16xf32>,
      %get3A_337 = vector.shape_cast %get3A_336 : vector<1x16xf32> to vector<16xf32>
      %get3A_338 = arith.constant 3 : i32
      %get3A_339 = arith.index_cast %get3A_338 : i32 to index
      %get3A_340 = arith.constant 16 : index
      %get3A_341 = tpu.vector_load %arg12[%get3A_339, %get3A_340] {strides = array<i32>} : memref<5x64xf32, #tpu.memory_space<vmem>>, vector<1x16xf32>,
      %get3A_342 = vector.shape_cast %get3A_341 : vector<1x16xf32> to vector<16xf32>
      %mul3A_343 = arith.mulf %get3A_337, %get3A_342 : vector<16xf32>
      %get3A_344 = arith.constant 3 : i32
      %get3A_345 = arith.index_cast %get3A_344 : i32 to index
      %get3A_346 = arith.constant 16 : index
      %get3A_347 = tpu.vector_load %arg13[%get3A_345, %get3A_346] {strides = array<i32>} : memref<5x64xf32, #tpu.memory_space<vmem>>, vector<1x16xf32>,
      %get3A_348 = vector.shape_cast %get3A_347 : vector<1x16xf32> to vector<16xf32>
      %add3A_349 = arith.addf %mul3A_343, %get3A_348 : vector<16xf32>
      %swap3A_350 = arith.constant 203 : i32
      %swap3A_351 = arith.index_cast %swap3A_350 : i32 to index
      %swap3A_352 = arith.constant 16 : index
      %swap3A_353 = tpu.vector_load %arg10[%swap3A_351, %swap3A_352] {strides = array<i32>} : memref<205x64xf32, #tpu.memory_space<vmem>>, vector<1x16xf32>,
      %swap3A_354 = vector.shape_cast %swap3A_353 : vector<1x16xf32> to vector<16xf32>
      %swap3A_355 = vector.shape_cast %add3A_349 : vector<16xf32> to vector<1x16xf32>
      tpu.vector_store %arg10[%swap3A_351, %swap3A_352], %swap3A_355 {strides = array<i32>} : memref<205x64xf32, #tpu.memory_space<vmem>>, vector<1x16xf32>,
      %get3A_356 = arith.index_cast %mul3A_29 : i32 to index
      %get3A_357 = arith.constant 224 : index
      %get3A_358 = tpu.vector_load %arg9[%get3A_356, %get3A_357] {strides = array<i32>} : memref<128x320xf32, #tpu.memory_space<vmem>>, vector<1x16xf32>,
      %get3A_359 = vector.shape_cast %get3A_358 : vector<1x16xf32> to vector<16xf32>
      %get3A_360 = arith.constant 3 : i32
      %get3A_361 = arith.index_cast %get3A_360 : i32 to index
      %get3A_362 = arith.constant 32 : index
      %get3A_363 = tpu.vector_load %arg12[%get3A_361, %get3A_362] {strides = array<i32>} : memref<5x64xf32, #tpu.memory_space<vmem>>, vector<1x16xf32>,
      %get3A_364 = vector.shape_cast %get3A_363 : vector<1x16xf32> to vector<16xf32>
      %mul3A_365 = arith.mulf %get3A_359, %get3A_364 : vector<16xf32>
      %get3A_366 = arith.constant 3 : i32
      %get3A_367 = arith.index_cast %get3A_366 : i32 to index
      %get3A_368 = arith.constant 32 : index
      %get3A_369 = tpu.vector_load %arg13[%get3A_367, %get3A_368] {strides = array<i32>} : memref<5x64xf32, #tpu.memory_space<vmem>>, vector<1x16xf32>,
      %get3A_370 = vector.shape_cast %get3A_369 : vector<1x16xf32> to vector<16xf32>
      %add3A_371 = arith.addf %mul3A_365, %get3A_370 : vector<16xf32>
      %swap3A_372 = arith.constant 203 : i32
      %swap3A_373 = arith.index_cast %swap3A_372 : i32 to index
      %swap3A_374 = arith.constant 32 : index
      %swap3A_375 = tpu.vector_load %arg10[%swap3A_373, %swap3A_374] {strides = array<i32>} : memref<205x64xf32, #tpu.memory_space<vmem>>, vector<1x16xf32>,
      %swap3A_376 = vector.shape_cast %swap3A_375 : vector<1x16xf32> to vector<16xf32>
      %swap3A_377 = vector.shape_cast %add3A_371 : vector<16xf32> to vector<1x16xf32>
      tpu.vector_store %arg10[%swap3A_373, %swap3A_374], %swap3A_377 {strides = array<i32>} : memref<205x64xf32, #tpu.memory_space<vmem>>, vector<1x16xf32>,
      %get3A_378 = arith.index_cast %mul3A_29 : i32 to index
      %get3A_379 = arith.constant 240 : index
      %get3A_380 = tpu.vector_load %arg9[%get3A_378, %get3A_379] {strides = array<i32>} : memref<128x320xf32, #tpu.memory_space<vmem>>, vector<1x16xf32>,
      %get3A_381 = vector.shape_cast %get3A_380 : vector<1x16xf32> to vector<16xf32>
      %get3A_382 = arith.constant 3 : i32
      %get3A_383 = arith.index_cast %get3A_382 : i32 to index
      %get3A_384 = arith.constant 48 : index
      %get3A_385 = tpu.vector_load %arg12[%get3A_383, %get3A_384] {strides = array<i32>} : memref<5x64xf32, #tpu.memory_space<vmem>>, vector<1x16xf32>,
      %get3A_386 = vector.shape_cast %get3A_385 : vector<1x16xf32> to vector<16xf32>
      %mul3A_387 = arith.mulf %get3A_381, %get3A_386 : vector<16xf32>
      %get3A_388 = arith.constant 3 : i32
      %get3A_389 = arith.index_cast %get3A_388 : i32 to index
      %get3A_390 = arith.constant 48 : index
      %get3A_391 = tpu.vector_load %arg13[%get3A_389, %get3A_390] {strides = array<i32>} : memref<5x64xf32, #tpu.memory_space<vmem>>, vector<1x16xf32>,
      %get3A_392 = vector.shape_cast %get3A_391 : vector<1x16xf32> to vector<16xf32>
      %add3A_393 = arith.addf %mul3A_387, %get3A_392 : vector<16xf32>
      %swap3A_394 = arith.constant 203 : i32
      %swap3A_395 = arith.index_cast %swap3A_394 : i32 to index
      %swap3A_396 = arith.constant 48 : index
      %swap3A_397 = tpu.vector_load %arg10[%swap3A_395, %swap3A_396] {strides = array<i32>} : memref<205x64xf32, #tpu.memory_space<vmem>>, vector<1x16xf32>,
      %swap3A_398 = vector.shape_cast %swap3A_397 : vector<1x16xf32> to vector<16xf32>
      %swap3A_399 = vector.shape_cast %add3A_393 : vector<16xf32> to vector<1x16xf32>
      tpu.vector_store %arg10[%swap3A_395, %swap3A_396], %swap3A_399 {strides = array<i32>} : memref<205x64xf32, #tpu.memory_space<vmem>>, vector<1x16xf32>,
      %get3A_400 = arith.index_cast %mul3A_29 : i32 to index
      %get3A_401 = arith.constant 256 : index
      %get3A_402 = tpu.vector_load %arg9[%get3A_400, %get3A_401] {strides = array<i32>} : memref<128x320xf32, #tpu.memory_space<vmem>>, vector<1x16xf32>,
      %get3A_403 = vector.shape_cast %get3A_402 : vector<1x16xf32> to vector<16xf32>
      %get3A_404 = arith.constant 4 : i32
      %get3A_405 = arith.index_cast %get3A_404 : i32 to index
      %get3A_406 = arith.constant 0 : index
      %get3A_407 = tpu.vector_load %arg12[%get3A_405, %get3A_406] {strides = array<i32>} : memref<5x64xf32, #tpu.memory_space<vmem>>, vector<1x16xf32>,
      %get3A_408 = vector.shape_cast %get3A_407 : vector<1x16xf32> to vector<16xf32>
      %mul3A_409 = arith.mulf %get3A_403, %get3A_408 : vector<16xf32>
      %get3A_410 = arith.constant 4 : i32
      %get3A_411 = arith.index_cast %get3A_410 : i32 to index
      %get3A_412 = arith.constant 0 : index
      %get3A_413 = tpu.vector_load %arg13[%get3A_411, %get3A_412] {strides = array<i32>} : memref<5x64xf32, #tpu.memory_space<vmem>>, vector<1x16xf32>,
      %get3A_414 = vector.shape_cast %get3A_413 : vector<1x16xf32> to vector<16xf32>
      %add3A_415 = arith.addf %mul3A_409, %get3A_414 : vector<16xf32>
      %swap3A_416 = arith.constant 204 : i32
      %swap3A_417 = arith.index_cast %swap3A_416 : i32 to index
      %swap3A_418 = arith.constant 0 : index
      %swap3A_419 = tpu.vector_load %arg10[%swap3A_417, %swap3A_418] {strides = array<i32>} : memref<205x64xf32, #tpu.memory_space<vmem>>, vector<1x16xf32>,
      %swap3A_420 = vector.shape_cast %swap3A_419 : vector<1x16xf32> to vector<16xf32>
      %swap3A_421 = vector.shape_cast %add3A_415 : vector<16xf32> to vector<1x16xf32>
      tpu.vector_store %arg10[%swap3A_417, %swap3A_418], %swap3A_421 {strides = array<i32>} : memref<205x64xf32, #tpu.memory_space<vmem>>, vector<1x16xf32>,
      %get3A_422 = arith.index_cast %mul3A_29 : i32 to index
      %get3A_423 = arith.constant 272 : index
      %get3A_424 = tpu.vector_load %arg9[%get3A_422, %get3A_423] {strides = array<i32>} : memref<128x320xf32, #tpu.memory_space<vmem>>, vector<1x16xf32>,
      %get3A_425 = vector.shape_cast %get3A_424 : vector<1x16xf32> to vector<16xf32>
      %get3A_426 = arith.constant 4 : i32
      %get3A_427 = arith.index_cast %get3A_426 : i32 to index
      %get3A_428 = arith.constant 16 : index
      %get3A_429 = tpu.vector_load %arg12[%get3A_427, %get3A_428] {strides = array<i32>} : memref<5x64xf32, #tpu.memory_space<vmem>>, vector<1x16xf32>,
      %get3A_430 = vector.shape_cast %get3A_429 : vector<1x16xf32> to vector<16xf32>
      %mul3A_431 = arith.mulf %get3A_425, %get3A_430 : vector<16xf32>
      %get3A_432 = arith.constant 4 : i32
      %get3A_433 = arith.index_cast %get3A_432 : i32 to index
      %get3A_434 = arith.constant 16 : index
      %get3A_435 = tpu.vector_load %arg13[%get3A_433, %get3A_434] {strides = array<i32>} : memref<5x64xf32, #tpu.memory_space<vmem>>, vector<1x16xf32>,
      %get3A_436 = vector.shape_cast %get3A_435 : vector<1x16xf32> to vector<16xf32>
      %add3A_437 = arith.addf %mul3A_431, %get3A_436 : vector<16xf32>
      %swap3A_438 = arith.constant 204 : i32
      %swap3A_439 = arith.index_cast %swap3A_438 : i32 to index
      %swap3A_440 = arith.constant 16 : index
      %swap3A_441 = tpu.vector_load %arg10[%swap3A_439, %swap3A_440] {strides = array<i32>} : memref<205x64xf32, #tpu.memory_space<vmem>>, vector<1x16xf32>,
      %swap3A_442 = vector.shape_cast %swap3A_441 : vector<1x16xf32> to vector<16xf32>
      %swap3A_443 = vector.shape_cast %add3A_437 : vector<16xf32> to vector<1x16xf32>
      tpu.vector_store %arg10[%swap3A_439, %swap3A_440], %swap3A_443 {strides = array<i32>} : memref<205x64xf32, #tpu.memory_space<vmem>>, vector<1x16xf32>,
      %get3A_444 = arith.index_cast %mul3A_29 : i32 to index
      %get3A_445 = arith.constant 288 : index
      %get3A_446 = tpu.vector_load %arg9[%get3A_444, %get3A_445] {strides = array<i32>} : memref<128x320xf32, #tpu.memory_space<vmem>>, vector<1x16xf32>,
      %get3A_447 = vector.shape_cast %get3A_446 : vector<1x16xf32> to vector<16xf32>
      %get3A_448 = arith.constant 4 : i32
      %get3A_449 = arith.index_cast %get3A_448 : i32 to index
      %get3A_450 = arith.constant 32 : index
      %get3A_451 = tpu.vector_load %arg12[%get3A_449, %get3A_450] {strides = array<i32>} : memref<5x64xf32, #tpu.memory_space<vmem>>, vector<1x16xf32>,
      %get3A_452 = vector.shape_cast %get3A_451 : vector<1x16xf32> to vector<16xf32>
      %mul3A_453 = arith.mulf %get3A_447, %get3A_452 : vector<16xf32>
      %get3A_454 = arith.constant 4 : i32
      %get3A_455 = arith.index_cast %get3A_454 : i32 to index
      %get3A_456 = arith.constant 32 : index
      %get3A_457 = tpu.vector_load %arg13[%get3A_455, %get3A_456] {strides = array<i32>} : memref<5x64xf32, #tpu.memory_space<vmem>>, vector<1x16xf32>,
      %get3A_458 = vector.shape_cast %get3A_457 : vector<1x16xf32> to vector<16xf32>
      %add3A_459 = arith.addf %mul3A_453, %get3A_458 : vector<16xf32>
      %swap3A_460 = arith.constant 204 : i32
      %swap3A_461 = arith.index_cast %swap3A_460 : i32 to index
      %swap3A_462 = arith.constant 32 : index
      %swap3A_463 = tpu.vector_load %arg10[%swap3A_461, %swap3A_462] {strides = array<i32>} : memref<205x64xf32, #tpu.memory_space<vmem>>, vector<1x16xf32>,
      %swap3A_464 = vector.shape_cast %swap3A_463 : vector<1x16xf32> to vector<16xf32>
      %swap3A_465 = vector.shape_cast %add3A_459 : vector<16xf32> to vector<1x16xf32>
      tpu.vector_store %arg10[%swap3A_461, %swap3A_462], %swap3A_465 {strides = array<i32>} : memref<205x64xf32, #tpu.memory_space<vmem>>, vector<1x16xf32>,
      %get3A_466 = arith.index_cast %mul3A_29 : i32 to index
      %get3A_467 = arith.constant 304 : index
      %get3A_468 = tpu.vector_load %arg9[%get3A_466, %get3A_467] {strides = array<i32>} : memref<128x320xf32, #tpu.memory_space<vmem>>, vector<1x16xf32>,
      %get3A_469 = vector.shape_cast %get3A_468 : vector<1x16xf32> to vector<16xf32>
      %get3A_470 = arith.constant 4 : i32
      %get3A_471 = arith.index_cast %get3A_470 : i32 to index
      %get3A_472 = arith.constant 48 : index
      %get3A_473 = tpu.vector_load %arg12[%get3A_471, %get3A_472] {strides = array<i32>} : memref<5x64xf32, #tpu.memory_space<vmem>>, vector<1x16xf32>,
      %get3A_474 = vector.shape_cast %get3A_473 : vector<1x16xf32> to vector<16xf32>
      %mul3A_475 = arith.mulf %get3A_469, %get3A_474 : vector<16xf32>
      %get3A_476 = arith.constant 4 : i32
      %get3A_477 = arith.index_cast %get3A_476 : i32 to index
      %get3A_478 = arith.constant 48 : index
      %get3A_479 = tpu.vector_load %arg13[%get3A_477, %get3A_478] {strides = array<i32>} : memref<5x64xf32, #tpu.memory_space<vmem>>, vector<1x16xf32>,
      %get3A_480 = vector.shape_cast %get3A_479 : vector<1x16xf32> to vector<16xf32>
      %add3A_481 = arith.addf %mul3A_475, %get3A_480 : vector<16xf32>
      %swap3A_482 = arith.constant 204 : i32
      %swap3A_483 = arith.index_cast %swap3A_482 : i32 to index
      %swap3A_484 = arith.constant 48 : index
      %swap3A_485 = tpu.vector_load %arg10[%swap3A_483, %swap3A_484] {strides = array<i32>} : memref<205x64xf32, #tpu.memory_space<vmem>>, vector<1x16xf32>,
      %swap3A_486 = vector.shape_cast %swap3A_485 : vector<1x16xf32> to vector<16xf32>
      %swap3A_487 = vector.shape_cast %add3A_481 : vector<16xf32> to vector<1x16xf32>
      tpu.vector_store %arg10[%swap3A_483, %swap3A_484], %swap3A_487 {strides = array<i32>} : memref<205x64xf32, #tpu.memory_space<vmem>>, vector<1x16xf32>,
      %dma_wait3A = arith.constant 0 : i32
      %dma_wait3A_488 = arith.constant 0 : i32
      %dma_wait3A_489 = tpu.memref_slice %arg10[%dma_wait3A, %dma_wait3A_488] : memref<205x64xf32, #tpu.memory_space<vmem>> -> memref<128x64xf32, #tpu.memory_space<vmem>>
      %dma_wait3A_490 = arith.constant 0 : i32
      %dma_wait3A_491 = arith.constant 0 : i32
      %dma_wait3A_492 = tpu.memref_slice %arg3[%dma_wait3A_490, %dma_wait3A_491] : memref<100000x64xf32, #tpu.memory_space<hbm>> -> memref<128x64xf32, #tpu.memory_space<hbm>>
      %dma_wait3A_493 = arith.constant 0 : i32
      %dma_wait3A_494 = arith.constant 0 : i32
      %dma_wait3A_495 = tpu.memref_slice %arg10[%dma_wait3A_493, %dma_wait3A_494] : memref<205x64xf32, #tpu.memory_space<vmem>> -> memref<128x64xf32, #tpu.memory_space<vmem>>
      %dma_wait3A_496 = arith.constant 0 : i32
      %dma_wait3A_497 = arith.constant 0 : i32
      %dma_wait3A_498 = tpu.memref_slice %arg3[%dma_wait3A_496, %dma_wait3A_497] : memref<100000x64xf32, #tpu.memory_space<hbm>> -> memref<128x64xf32, #tpu.memory_space<hbm>>
      tpu.wait_dma2 semaphore(%arg14 : memref<!tpu.dma_semaphore, #tpu.memory_space<semaphore_mem>>) src(%dma_wait3A_498 : memref<128x64xf32, #tpu.memory_space<hbm>>) dst(%dma_wait3A_495 : memref<128x64xf32, #tpu.memory_space<vmem>>)
      %dma_wait3A_499 = arith.constant 128 : i32
      %dma_wait3A_500 = arith.constant 0 : i32
      %dma_wait3A_501 = tpu.memref_slice %arg10[%dma_wait3A_499, %dma_wait3A_500] : memref<205x64xf32, #tpu.memory_space<vmem>> -> memref<72x64xf32, #tpu.memory_space<vmem>>
      %dma_wait3A_502 = arith.constant 0 : i32
      %dma_wait3A_503 = arith.constant 0 : i32
      %dma_wait3A_504 = tpu.memref_slice %arg3[%dma_wait3A_502, %dma_wait3A_503] : memref<100000x64xf32, #tpu.memory_space<hbm>> -> memref<72x64xf32, #tpu.memory_space<hbm>>
      %dma_wait3A_505 = arith.constant 128 : i32
      %dma_wait3A_506 = arith.constant 0 : i32
      %dma_wait3A_507 = tpu.memref_slice %arg10[%dma_wait3A_505, %dma_wait3A_506] : memref<205x64xf32, #tpu.memory_space<vmem>> -> memref<72x64xf32, #tpu.memory_space<vmem>>
      %dma_wait3A_508 = arith.constant 0 : i32
      %dma_wait3A_509 = arith.constant 0 : i32
      %dma_wait3A_510 = tpu.memref_slice %arg3[%dma_wait3A_508, %dma_wait3A_509] : memref<100000x64xf32, #tpu.memory_space<hbm>> -> memref<72x64xf32, #tpu.memory_space<hbm>>
      tpu.wait_dma2 semaphore(%arg14 : memref<!tpu.dma_semaphore, #tpu.memory_space<semaphore_mem>>) src(%dma_wait3A_510 : memref<72x64xf32, #tpu.memory_space<hbm>>) dst(%dma_wait3A_507 : memref<72x64xf32, #tpu.memory_space<vmem>>)
      %add3A_511 = arith.addi %mul3A_2, %mul3A_29 : i32
      "tpu.region"() ({
        %run_scoped3A = tpu.sem_alloc : memref<!tpu.dma_semaphore, #tpu.memory_space<semaphore_mem>>
        %dma_start3A_983 = arith.constant 5 : i32
        %dma_start3A_984 = arith.constant 0 : i32
        %dma_start3A_985 = tpu.memref_slice %arg10[%dma_start3A_983, %dma_start3A_984] : memref<205x64xf32, #tpu.memory_space<vmem>> -> memref<200x64xf32, #tpu.memory_space<vmem>>
        %dma_start3A_986 = arith.constant 0 : i32
        %dma_start3A_987 = arith.constant 0 : i32
        %dma_start3A_988 = tpu.memref_slice %arg7[%add3A_511, %dma_start3A_986, %dma_start3A_987] : memref<4096x200x64xf32, #tpu.memory_space<hbm>> -> memref<1x200x64xf32, #tpu.memory_space<hbm>>
        %dma_start3A_989 = tpu.memref_squeeze %dma_start3A_988 : memref<1x200x64xf32, #tpu.memory_space<hbm>> -> memref<200x64xf32, #tpu.memory_space<hbm>>
        %dma_start3A_990 = arith.constant 0 : i32
        %dma_start3A_991 = arith.constant 0 : i32
        %dma_start3A_992 = tpu.memref_slice %arg7[%add3A_511, %dma_start3A_990, %dma_start3A_991] : memref<4096x200x64xf32, #tpu.memory_space<hbm>> -> memref<1x200x64xf32, #tpu.memory_space<hbm>>
        %dma_start3A_993 = tpu.memref_squeeze %dma_start3A_992 : memref<1x200x64xf32, #tpu.memory_space<hbm>> -> memref<200x64xf32, #tpu.memory_space<hbm>>
        %dma_start3A_994 = arith.constant 5 : i32
        %dma_start3A_995 = arith.constant 0 : i32
        %dma_start3A_996 = tpu.memref_slice %arg10[%dma_start3A_994, %dma_start3A_995] : memref<205x64xf32, #tpu.memory_space<vmem>> -> memref<200x64xf32, #tpu.memory_space<vmem>>
        tpu.enqueue_dma source(%dma_start3A_996 : memref<200x64xf32, #tpu.memory_space<vmem>>) target(%dma_start3A_993 : memref<200x64xf32, #tpu.memory_space<hbm>>) target_semaphore(%run_scoped3A : memref<!tpu.dma_semaphore, #tpu.memory_space<semaphore_mem>>)
        %dma_wait3A_997 = arith.constant 5 : i32
        %dma_wait3A_998 = arith.constant 0 : i32
        %dma_wait3A_999 = tpu.memref_slice %arg10[%dma_wait3A_997, %dma_wait3A_998] : memref<205x64xf32, #tpu.memory_space<vmem>> -> memref<200x64xf32, #tpu.memory_space<vmem>>
        %dma_wait3A_1000 = arith.constant 0 : i32
        %dma_wait3A_1001 = arith.constant 0 : i32
        %dma_wait3A_1002 = tpu.memref_slice %arg7[%add3A_511, %dma_wait3A_1000, %dma_wait3A_1001] : memref<4096x200x64xf32, #tpu.memory_space<hbm>> -> memref<1x200x64xf32, #tpu.memory_space<hbm>>
        %dma_wait3A_1003 = tpu.memref_squeeze %dma_wait3A_1002 : memref<1x200x64xf32, #tpu.memory_space<hbm>> -> memref<200x64xf32, #tpu.memory_space<hbm>>
        %dma_wait3A_1004 = arith.constant 0 : i32
        %dma_wait3A_1005 = arith.constant 0 : i32
        %dma_wait3A_1006 = tpu.memref_slice %arg7[%add3A_511, %dma_wait3A_1004, %dma_wait3A_1005] : memref<4096x200x64xf32, #tpu.memory_space<hbm>> -> memref<1x200x64xf32, #tpu.memory_space<hbm>>
        %dma_wait3A_1007 = tpu.memref_squeeze %dma_wait3A_1006 : memref<1x200x64xf32, #tpu.memory_space<hbm>> -> memref<200x64xf32, #tpu.memory_space<hbm>>
        %dma_wait3A_1008 = arith.constant 5 : i32
        %dma_wait3A_1009 = arith.constant 0 : i32
        %dma_wait3A_1010 = tpu.memref_slice %arg10[%dma_wait3A_1008, %dma_wait3A_1009] : memref<205x64xf32, #tpu.memory_space<vmem>> -> memref<200x64xf32, #tpu.memory_space<vmem>>
        tpu.wait_dma2 semaphore(%run_scoped3A : memref<!tpu.dma_semaphore, #tpu.memory_space<semaphore_mem>>) src(%dma_wait3A_1010 : memref<200x64xf32, #tpu.memory_space<vmem>>) dst(%dma_wait3A_1007 : memref<200x64xf32, #tpu.memory_space<hbm>>)
        tpu.yield
      }) : () -> ()
      %add3A_512 = arith.constant 1 : i32
      %add3A_513 = arith.addi %scan3A_27, %add3A_512 : i32
      %lt3A = arith.constant 64 : i32
      %lt3A_514 = arith.cmpi slt, %add3A_513, %lt3A : i32
      %convert_element_type3A = arith.extui %lt3A_514 : i1 to i32
      %cond3A = arith.constant 0 : i32
      %cond3A_515 = arith.cmpi ne, %convert_element_type3A, %cond3A : i32
      scf.if %cond3A_515 {
        %add3A_983 = arith.constant 2 : i32
        %add3A_984 = arith.addi %mul3A_29, %add3A_983 : i32
        %dma_start3A_985 = arith.constant 0 : i32
        %dma_start3A_986 = arith.constant 0 : i32
        %dma_start3A_987 = tpu.memref_slice %arg10[%dma_start3A_985, %dma_start3A_986] : memref<205x64xf32, #tpu.memory_space<vmem>> -> memref<128x64xf32, #tpu.memory_space<vmem>>
        %dma_start3A_988 = arith.constant 0 : i32
        %dma_start3A_989 = tpu.memref_slice %arg8[%add3A_984, %dma_start3A_988] : memref<128x200xi32, #tpu.memory_space<vmem>> -> memref<1x128xi32, #tpu.memory_space<vmem>>
        %dma_start3A_990 = tpu.memref_squeeze %dma_start3A_989 : memref<1x128xi32, #tpu.memory_space<vmem>> -> memref<128xi32, #tpu.memory_space<vmem>>
        %dma_start3A_991 = arith.constant 0 : i32
        %dma_start3A_992 = arith.constant 0 : i32
        %dma_start3A_993 = tpu.memref_slice %arg3[%dma_start3A_991, %dma_start3A_992] : memref<100000x64xf32, #tpu.memory_space<hbm>> -> memref<100000x64xf32, #tpu.memory_space<hbm>>
        tpu.enqueue_indirect_dma source(%dma_start3A_993 : memref<100000x64xf32, #tpu.memory_space<hbm>>) target(%dma_start3A_987 : memref<128x64xf32, #tpu.memory_space<vmem>>) offsets(%dma_start3A_990 : memref<128xi32, #tpu.memory_space<vmem>>) semaphore(%arg14 : memref<!tpu.dma_semaphore, #tpu.memory_space<semaphore_mem>>)
        %dma_start3A_994 = arith.constant 128 : i32
        %dma_start3A_995 = arith.constant 0 : i32
        %dma_start3A_996 = tpu.memref_slice %arg10[%dma_start3A_994, %dma_start3A_995] : memref<205x64xf32, #tpu.memory_space<vmem>> -> memref<72x64xf32, #tpu.memory_space<vmem>>
        %dma_start3A_997 = arith.constant 128 : i32
        %dma_start3A_998 = tpu.memref_slice %arg8[%add3A_984, %dma_start3A_997] : memref<128x200xi32, #tpu.memory_space<vmem>> -> memref<1x72xi32, #tpu.memory_space<vmem>>
        %dma_start3A_999 = tpu.memref_squeeze %dma_start3A_998 : memref<1x72xi32, #tpu.memory_space<vmem>> -> memref<72xi32, #tpu.memory_space<vmem>>
        %dma_start3A_1000 = arith.constant 0 : i32
        %dma_start3A_1001 = arith.constant 0 : i32
        %dma_start3A_1002 = tpu.memref_slice %arg3[%dma_start3A_1000, %dma_start3A_1001] : memref<100000x64xf32, #tpu.memory_space<hbm>> -> memref<100000x64xf32, #tpu.memory_space<hbm>>
        tpu.enqueue_indirect_dma source(%dma_start3A_1002 : memref<100000x64xf32, #tpu.memory_space<hbm>>) target(%dma_start3A_996 : memref<72x64xf32, #tpu.memory_space<vmem>>) offsets(%dma_start3A_999 : memref<72xi32, #tpu.memory_space<vmem>>) semaphore(%arg14 : memref<!tpu.dma_semaphore, #tpu.memory_space<semaphore_mem>>)
      } else {
      }
      %add3A_516 = arith.constant 1 : i32
      %add3A_517 = arith.addi %mul3A_29, %add3A_516 : i32
      %get3A_518 = arith.index_cast %add3A_517 : i32 to index
      %get3A_519 = arith.constant 0 : index
      %get3A_520 = tpu.vector_load %arg9[%get3A_518, %get3A_519] {strides = array<i32>} : memref<128x320xf32, #tpu.memory_space<vmem>>, vector<1x16xf32>,
      %get3A_521 = vector.shape_cast %get3A_520 : vector<1x16xf32> to vector<16xf32>
      %get3A_522 = arith.constant 0 : i32
      %get3A_523 = arith.index_cast %get3A_522 : i32 to index
      %get3A_524 = arith.constant 0 : index
      %get3A_525 = tpu.vector_load %arg12[%get3A_523, %get3A_524] {strides = array<i32>} : memref<5x64xf32, #tpu.memory_space<vmem>>, vector<1x16xf32>,
      %get3A_526 = vector.shape_cast %get3A_525 : vector<1x16xf32> to vector<16xf32>
      %mul3A_527 = arith.mulf %get3A_521, %get3A_526 : vector<16xf32>
      %get3A_528 = arith.constant 0 : i32
      %get3A_529 = arith.index_cast %get3A_528 : i32 to index
      %get3A_530 = arith.constant 0 : index
      %get3A_531 = tpu.vector_load %arg13[%get3A_529, %get3A_530] {strides = array<i32>} : memref<5x64xf32, #tpu.memory_space<vmem>>, vector<1x16xf32>,
      %get3A_532 = vector.shape_cast %get3A_531 : vector<1x16xf32> to vector<16xf32>
      %add3A_533 = arith.addf %mul3A_527, %get3A_532 : vector<16xf32>
      %swap3A_534 = arith.constant 200 : i32
      %swap3A_535 = arith.index_cast %swap3A_534 : i32 to index
      %swap3A_536 = arith.constant 0 : index
      %swap3A_537 = tpu.vector_load %arg11[%swap3A_535, %swap3A_536] {strides = array<i32>} : memref<205x64xf32, #tpu.memory_space<vmem>>, vector<1x16xf32>,
      %swap3A_538 = vector.shape_cast %swap3A_537 : vector<1x16xf32> to vector<16xf32>
      %swap3A_539 = vector.shape_cast %add3A_533 : vector<16xf32> to vector<1x16xf32>
      tpu.vector_store %arg11[%swap3A_535, %swap3A_536], %swap3A_539 {strides = array<i32>} : memref<205x64xf32, #tpu.memory_space<vmem>>, vector<1x16xf32>,
      %get3A_540 = arith.index_cast %add3A_517 : i32 to index
      %get3A_541 = arith.constant 16 : index
      %get3A_542 = tpu.vector_load %arg9[%get3A_540, %get3A_541] {strides = array<i32>} : memref<128x320xf32, #tpu.memory_space<vmem>>, vector<1x16xf32>,
      %get3A_543 = vector.shape_cast %get3A_542 : vector<1x16xf32> to vector<16xf32>
      %get3A_544 = arith.constant 0 : i32
      %get3A_545 = arith.index_cast %get3A_544 : i32 to index
      %get3A_546 = arith.constant 16 : index
      %get3A_547 = tpu.vector_load %arg12[%get3A_545, %get3A_546] {strides = array<i32>} : memref<5x64xf32, #tpu.memory_space<vmem>>, vector<1x16xf32>,
      %get3A_548 = vector.shape_cast %get3A_547 : vector<1x16xf32> to vector<16xf32>
      %mul3A_549 = arith.mulf %get3A_543, %get3A_548 : vector<16xf32>
      %get3A_550 = arith.constant 0 : i32
      %get3A_551 = arith.index_cast %get3A_550 : i32 to index
      %get3A_552 = arith.constant 16 : index
      %get3A_553 = tpu.vector_load %arg13[%get3A_551, %get3A_552] {strides = array<i32>} : memref<5x64xf32, #tpu.memory_space<vmem>>, vector<1x16xf32>,
      %get3A_554 = vector.shape_cast %get3A_553 : vector<1x16xf32> to vector<16xf32>
      %add3A_555 = arith.addf %mul3A_549, %get3A_554 : vector<16xf32>
      %swap3A_556 = arith.constant 200 : i32
      %swap3A_557 = arith.index_cast %swap3A_556 : i32 to index
      %swap3A_558 = arith.constant 16 : index
      %swap3A_559 = tpu.vector_load %arg11[%swap3A_557, %swap3A_558] {strides = array<i32>} : memref<205x64xf32, #tpu.memory_space<vmem>>, vector<1x16xf32>,
      %swap3A_560 = vector.shape_cast %swap3A_559 : vector<1x16xf32> to vector<16xf32>
      %swap3A_561 = vector.shape_cast %add3A_555 : vector<16xf32> to vector<1x16xf32>
      tpu.vector_store %arg11[%swap3A_557, %swap3A_558], %swap3A_561 {strides = array<i32>} : memref<205x64xf32, #tpu.memory_space<vmem>>, vector<1x16xf32>,
      %get3A_562 = arith.index_cast %add3A_517 : i32 to index
      %get3A_563 = arith.constant 32 : index
      %get3A_564 = tpu.vector_load %arg9[%get3A_562, %get3A_563] {strides = array<i32>} : memref<128x320xf32, #tpu.memory_space<vmem>>, vector<1x16xf32>,
      %get3A_565 = vector.shape_cast %get3A_564 : vector<1x16xf32> to vector<16xf32>
      %get3A_566 = arith.constant 0 : i32
      %get3A_567 = arith.index_cast %get3A_566 : i32 to index
      %get3A_568 = arith.constant 32 : index
      %get3A_569 = tpu.vector_load %arg12[%get3A_567, %get3A_568] {strides = array<i32>} : memref<5x64xf32, #tpu.memory_space<vmem>>, vector<1x16xf32>,
      %get3A_570 = vector.shape_cast %get3A_569 : vector<1x16xf32> to vector<16xf32>
      %mul3A_571 = arith.mulf %get3A_565, %get3A_570 : vector<16xf32>
      %get3A_572 = arith.constant 0 : i32
      %get3A_573 = arith.index_cast %get3A_572 : i32 to index
      %get3A_574 = arith.constant 32 : index
      %get3A_575 = tpu.vector_load %arg13[%get3A_573, %get3A_574] {strides = array<i32>} : memref<5x64xf32, #tpu.memory_space<vmem>>, vector<1x16xf32>,
      %get3A_576 = vector.shape_cast %get3A_575 : vector<1x16xf32> to vector<16xf32>
      %add3A_577 = arith.addf %mul3A_571, %get3A_576 : vector<16xf32>
      %swap3A_578 = arith.constant 200 : i32
      %swap3A_579 = arith.index_cast %swap3A_578 : i32 to index
      %swap3A_580 = arith.constant 32 : index
      %swap3A_581 = tpu.vector_load %arg11[%swap3A_579, %swap3A_580] {strides = array<i32>} : memref<205x64xf32, #tpu.memory_space<vmem>>, vector<1x16xf32>,
      %swap3A_582 = vector.shape_cast %swap3A_581 : vector<1x16xf32> to vector<16xf32>
      %swap3A_583 = vector.shape_cast %add3A_577 : vector<16xf32> to vector<1x16xf32>
      tpu.vector_store %arg11[%swap3A_579, %swap3A_580], %swap3A_583 {strides = array<i32>} : memref<205x64xf32, #tpu.memory_space<vmem>>, vector<1x16xf32>,
      %get3A_584 = arith.index_cast %add3A_517 : i32 to index
      %get3A_585 = arith.constant 48 : index
      %get3A_586 = tpu.vector_load %arg9[%get3A_584, %get3A_585] {strides = array<i32>} : memref<128x320xf32, #tpu.memory_space<vmem>>, vector<1x16xf32>,
      %get3A_587 = vector.shape_cast %get3A_586 : vector<1x16xf32> to vector<16xf32>
      %get3A_588 = arith.constant 0 : i32
      %get3A_589 = arith.index_cast %get3A_588 : i32 to index
      %get3A_590 = arith.constant 48 : index
      %get3A_591 = tpu.vector_load %arg12[%get3A_589, %get3A_590] {strides = array<i32>} : memref<5x64xf32, #tpu.memory_space<vmem>>, vector<1x16xf32>,
      %get3A_592 = vector.shape_cast %get3A_591 : vector<1x16xf32> to vector<16xf32>
      %mul3A_593 = arith.mulf %get3A_587, %get3A_592 : vector<16xf32>
      %get3A_594 = arith.constant 0 : i32
      %get3A_595 = arith.index_cast %get3A_594 : i32 to index
      %get3A_596 = arith.constant 48 : index
      %get3A_597 = tpu.vector_load %arg13[%get3A_595, %get3A_596] {strides = array<i32>} : memref<5x64xf32, #tpu.memory_space<vmem>>, vector<1x16xf32>,
      %get3A_598 = vector.shape_cast %get3A_597 : vector<1x16xf32> to vector<16xf32>
      %add3A_599 = arith.addf %mul3A_593, %get3A_598 : vector<16xf32>
      %swap3A_600 = arith.constant 200 : i32
      %swap3A_601 = arith.index_cast %swap3A_600 : i32 to index
      %swap3A_602 = arith.constant 48 : index
      %swap3A_603 = tpu.vector_load %arg11[%swap3A_601, %swap3A_602] {strides = array<i32>} : memref<205x64xf32, #tpu.memory_space<vmem>>, vector<1x16xf32>,
      %swap3A_604 = vector.shape_cast %swap3A_603 : vector<1x16xf32> to vector<16xf32>
      %swap3A_605 = vector.shape_cast %add3A_599 : vector<16xf32> to vector<1x16xf32>
      tpu.vector_store %arg11[%swap3A_601, %swap3A_602], %swap3A_605 {strides = array<i32>} : memref<205x64xf32, #tpu.memory_space<vmem>>, vector<1x16xf32>,
      %get3A_606 = arith.index_cast %add3A_517 : i32 to index
      %get3A_607 = arith.constant 64 : index
      %get3A_608 = tpu.vector_load %arg9[%get3A_606, %get3A_607] {strides = array<i32>} : memref<128x320xf32, #tpu.memory_space<vmem>>, vector<1x16xf32>,
      %get3A_609 = vector.shape_cast %get3A_608 : vector<1x16xf32> to vector<16xf32>
      %get3A_610 = arith.constant 1 : i32
      %get3A_611 = arith.index_cast %get3A_610 : i32 to index
      %get3A_612 = arith.constant 0 : index
      %get3A_613 = tpu.vector_load %arg12[%get3A_611, %get3A_612] {strides = array<i32>} : memref<5x64xf32, #tpu.memory_space<vmem>>, vector<1x16xf32>,
      %get3A_614 = vector.shape_cast %get3A_613 : vector<1x16xf32> to vector<16xf32>
      %mul3A_615 = arith.mulf %get3A_609, %get3A_614 : vector<16xf32>
      %get3A_616 = arith.constant 1 : i32
      %get3A_617 = arith.index_cast %get3A_616 : i32 to index
      %get3A_618 = arith.constant 0 : index
      %get3A_619 = tpu.vector_load %arg13[%get3A_617, %get3A_618] {strides = array<i32>} : memref<5x64xf32, #tpu.memory_space<vmem>>, vector<1x16xf32>,
      %get3A_620 = vector.shape_cast %get3A_619 : vector<1x16xf32> to vector<16xf32>
      %add3A_621 = arith.addf %mul3A_615, %get3A_620 : vector<16xf32>
      %swap3A_622 = arith.constant 201 : i32
      %swap3A_623 = arith.index_cast %swap3A_622 : i32 to index
      %swap3A_624 = arith.constant 0 : index
      %swap3A_625 = tpu.vector_load %arg11[%swap3A_623, %swap3A_624] {strides = array<i32>} : memref<205x64xf32, #tpu.memory_space<vmem>>, vector<1x16xf32>,
      %swap3A_626 = vector.shape_cast %swap3A_625 : vector<1x16xf32> to vector<16xf32>
      %swap3A_627 = vector.shape_cast %add3A_621 : vector<16xf32> to vector<1x16xf32>
      tpu.vector_store %arg11[%swap3A_623, %swap3A_624], %swap3A_627 {strides = array<i32>} : memref<205x64xf32, #tpu.memory_space<vmem>>, vector<1x16xf32>,
      %get3A_628 = arith.index_cast %add3A_517 : i32 to index
      %get3A_629 = arith.constant 80 : index
      %get3A_630 = tpu.vector_load %arg9[%get3A_628, %get3A_629] {strides = array<i32>} : memref<128x320xf32, #tpu.memory_space<vmem>>, vector<1x16xf32>,
      %get3A_631 = vector.shape_cast %get3A_630 : vector<1x16xf32> to vector<16xf32>
      %get3A_632 = arith.constant 1 : i32
      %get3A_633 = arith.index_cast %get3A_632 : i32 to index
      %get3A_634 = arith.constant 16 : index
      %get3A_635 = tpu.vector_load %arg12[%get3A_633, %get3A_634] {strides = array<i32>} : memref<5x64xf32, #tpu.memory_space<vmem>>, vector<1x16xf32>,
      %get3A_636 = vector.shape_cast %get3A_635 : vector<1x16xf32> to vector<16xf32>
      %mul3A_637 = arith.mulf %get3A_631, %get3A_636 : vector<16xf32>
      %get3A_638 = arith.constant 1 : i32
      %get3A_639 = arith.index_cast %get3A_638 : i32 to index
      %get3A_640 = arith.constant 16 : index
      %get3A_641 = tpu.vector_load %arg13[%get3A_639, %get3A_640] {strides = array<i32>} : memref<5x64xf32, #tpu.memory_space<vmem>>, vector<1x16xf32>,
      %get3A_642 = vector.shape_cast %get3A_641 : vector<1x16xf32> to vector<16xf32>
      %add3A_643 = arith.addf %mul3A_637, %get3A_642 : vector<16xf32>
      %swap3A_644 = arith.constant 201 : i32
      %swap3A_645 = arith.index_cast %swap3A_644 : i32 to index
      %swap3A_646 = arith.constant 16 : index
      %swap3A_647 = tpu.vector_load %arg11[%swap3A_645, %swap3A_646] {strides = array<i32>} : memref<205x64xf32, #tpu.memory_space<vmem>>, vector<1x16xf32>,
      %swap3A_648 = vector.shape_cast %swap3A_647 : vector<1x16xf32> to vector<16xf32>
      %swap3A_649 = vector.shape_cast %add3A_643 : vector<16xf32> to vector<1x16xf32>
      tpu.vector_store %arg11[%swap3A_645, %swap3A_646], %swap3A_649 {strides = array<i32>} : memref<205x64xf32, #tpu.memory_space<vmem>>, vector<1x16xf32>,
      %get3A_650 = arith.index_cast %add3A_517 : i32 to index
      %get3A_651 = arith.constant 96 : index
      %get3A_652 = tpu.vector_load %arg9[%get3A_650, %get3A_651] {strides = array<i32>} : memref<128x320xf32, #tpu.memory_space<vmem>>, vector<1x16xf32>,
      %get3A_653 = vector.shape_cast %get3A_652 : vector<1x16xf32> to vector<16xf32>
      %get3A_654 = arith.constant 1 : i32
      %get3A_655 = arith.index_cast %get3A_654 : i32 to index
      %get3A_656 = arith.constant 32 : index
      %get3A_657 = tpu.vector_load %arg12[%get3A_655, %get3A_656] {strides = array<i32>} : memref<5x64xf32, #tpu.memory_space<vmem>>, vector<1x16xf32>,
      %get3A_658 = vector.shape_cast %get3A_657 : vector<1x16xf32> to vector<16xf32>
      %mul3A_659 = arith.mulf %get3A_653, %get3A_658 : vector<16xf32>
      %get3A_660 = arith.constant 1 : i32
      %get3A_661 = arith.index_cast %get3A_660 : i32 to index
      %get3A_662 = arith.constant 32 : index
      %get3A_663 = tpu.vector_load %arg13[%get3A_661, %get3A_662] {strides = array<i32>} : memref<5x64xf32, #tpu.memory_space<vmem>>, vector<1x16xf32>,
      %get3A_664 = vector.shape_cast %get3A_663 : vector<1x16xf32> to vector<16xf32>
      %add3A_665 = arith.addf %mul3A_659, %get3A_664 : vector<16xf32>
      %swap3A_666 = arith.constant 201 : i32
      %swap3A_667 = arith.index_cast %swap3A_666 : i32 to index
      %swap3A_668 = arith.constant 32 : index
      %swap3A_669 = tpu.vector_load %arg11[%swap3A_667, %swap3A_668] {strides = array<i32>} : memref<205x64xf32, #tpu.memory_space<vmem>>, vector<1x16xf32>,
      %swap3A_670 = vector.shape_cast %swap3A_669 : vector<1x16xf32> to vector<16xf32>
      %swap3A_671 = vector.shape_cast %add3A_665 : vector<16xf32> to vector<1x16xf32>
      tpu.vector_store %arg11[%swap3A_667, %swap3A_668], %swap3A_671 {strides = array<i32>} : memref<205x64xf32, #tpu.memory_space<vmem>>, vector<1x16xf32>,
      %get3A_672 = arith.index_cast %add3A_517 : i32 to index
      %get3A_673 = arith.constant 112 : index
      %get3A_674 = tpu.vector_load %arg9[%get3A_672, %get3A_673] {strides = array<i32>} : memref<128x320xf32, #tpu.memory_space<vmem>>, vector<1x16xf32>,
      %get3A_675 = vector.shape_cast %get3A_674 : vector<1x16xf32> to vector<16xf32>
      %get3A_676 = arith.constant 1 : i32
      %get3A_677 = arith.index_cast %get3A_676 : i32 to index
      %get3A_678 = arith.constant 48 : index
      %get3A_679 = tpu.vector_load %arg12[%get3A_677, %get3A_678] {strides = array<i32>} : memref<5x64xf32, #tpu.memory_space<vmem>>, vector<1x16xf32>,
      %get3A_680 = vector.shape_cast %get3A_679 : vector<1x16xf32> to vector<16xf32>
      %mul3A_681 = arith.mulf %get3A_675, %get3A_680 : vector<16xf32>
      %get3A_682 = arith.constant 1 : i32
      %get3A_683 = arith.index_cast %get3A_682 : i32 to index
      %get3A_684 = arith.constant 48 : index
      %get3A_685 = tpu.vector_load %arg13[%get3A_683, %get3A_684] {strides = array<i32>} : memref<5x64xf32, #tpu.memory_space<vmem>>, vector<1x16xf32>,
      %get3A_686 = vector.shape_cast %get3A_685 : vector<1x16xf32> to vector<16xf32>
      %add3A_687 = arith.addf %mul3A_681, %get3A_686 : vector<16xf32>
      %swap3A_688 = arith.constant 201 : i32
      %swap3A_689 = arith.index_cast %swap3A_688 : i32 to index
      %swap3A_690 = arith.constant 48 : index
      %swap3A_691 = tpu.vector_load %arg11[%swap3A_689, %swap3A_690] {strides = array<i32>} : memref<205x64xf32, #tpu.memory_space<vmem>>, vector<1x16xf32>,
      %swap3A_692 = vector.shape_cast %swap3A_691 : vector<1x16xf32> to vector<16xf32>
      %swap3A_693 = vector.shape_cast %add3A_687 : vector<16xf32> to vector<1x16xf32>
      tpu.vector_store %arg11[%swap3A_689, %swap3A_690], %swap3A_693 {strides = array<i32>} : memref<205x64xf32, #tpu.memory_space<vmem>>, vector<1x16xf32>,
      %get3A_694 = arith.index_cast %add3A_517 : i32 to index
      %get3A_695 = arith.constant 128 : index
      %get3A_696 = tpu.vector_load %arg9[%get3A_694, %get3A_695] {strides = array<i32>} : memref<128x320xf32, #tpu.memory_space<vmem>>, vector<1x16xf32>,
      %get3A_697 = vector.shape_cast %get3A_696 : vector<1x16xf32> to vector<16xf32>
      %get3A_698 = arith.constant 2 : i32
      %get3A_699 = arith.index_cast %get3A_698 : i32 to index
      %get3A_700 = arith.constant 0 : index
      %get3A_701 = tpu.vector_load %arg12[%get3A_699, %get3A_700] {strides = array<i32>} : memref<5x64xf32, #tpu.memory_space<vmem>>, vector<1x16xf32>,
      %get3A_702 = vector.shape_cast %get3A_701 : vector<1x16xf32> to vector<16xf32>
      %mul3A_703 = arith.mulf %get3A_697, %get3A_702 : vector<16xf32>
      %get3A_704 = arith.constant 2 : i32
      %get3A_705 = arith.index_cast %get3A_704 : i32 to index
      %get3A_706 = arith.constant 0 : index
      %get3A_707 = tpu.vector_load %arg13[%get3A_705, %get3A_706] {strides = array<i32>} : memref<5x64xf32, #tpu.memory_space<vmem>>, vector<1x16xf32>,
      %get3A_708 = vector.shape_cast %get3A_707 : vector<1x16xf32> to vector<16xf32>
      %add3A_709 = arith.addf %mul3A_703, %get3A_708 : vector<16xf32>
      %swap3A_710 = arith.constant 202 : i32
      %swap3A_711 = arith.index_cast %swap3A_710 : i32 to index
      %swap3A_712 = arith.constant 0 : index
      %swap3A_713 = tpu.vector_load %arg11[%swap3A_711, %swap3A_712] {strides = array<i32>} : memref<205x64xf32, #tpu.memory_space<vmem>>, vector<1x16xf32>,
      %swap3A_714 = vector.shape_cast %swap3A_713 : vector<1x16xf32> to vector<16xf32>
      %swap3A_715 = vector.shape_cast %add3A_709 : vector<16xf32> to vector<1x16xf32>
      tpu.vector_store %arg11[%swap3A_711, %swap3A_712], %swap3A_715 {strides = array<i32>} : memref<205x64xf32, #tpu.memory_space<vmem>>, vector<1x16xf32>,
      %get3A_716 = arith.index_cast %add3A_517 : i32 to index
      %get3A_717 = arith.constant 144 : index
      %get3A_718 = tpu.vector_load %arg9[%get3A_716, %get3A_717] {strides = array<i32>} : memref<128x320xf32, #tpu.memory_space<vmem>>, vector<1x16xf32>,
      %get3A_719 = vector.shape_cast %get3A_718 : vector<1x16xf32> to vector<16xf32>
      %get3A_720 = arith.constant 2 : i32
      %get3A_721 = arith.index_cast %get3A_720 : i32 to index
      %get3A_722 = arith.constant 16 : index
      %get3A_723 = tpu.vector_load %arg12[%get3A_721, %get3A_722] {strides = array<i32>} : memref<5x64xf32, #tpu.memory_space<vmem>>, vector<1x16xf32>,
      %get3A_724 = vector.shape_cast %get3A_723 : vector<1x16xf32> to vector<16xf32>
      %mul3A_725 = arith.mulf %get3A_719, %get3A_724 : vector<16xf32>
      %get3A_726 = arith.constant 2 : i32
      %get3A_727 = arith.index_cast %get3A_726 : i32 to index
      %get3A_728 = arith.constant 16 : index
      %get3A_729 = tpu.vector_load %arg13[%get3A_727, %get3A_728] {strides = array<i32>} : memref<5x64xf32, #tpu.memory_space<vmem>>, vector<1x16xf32>,
      %get3A_730 = vector.shape_cast %get3A_729 : vector<1x16xf32> to vector<16xf32>
      %add3A_731 = arith.addf %mul3A_725, %get3A_730 : vector<16xf32>
      %swap3A_732 = arith.constant 202 : i32
      %swap3A_733 = arith.index_cast %swap3A_732 : i32 to index
      %swap3A_734 = arith.constant 16 : index
      %swap3A_735 = tpu.vector_load %arg11[%swap3A_733, %swap3A_734] {strides = array<i32>} : memref<205x64xf32, #tpu.memory_space<vmem>>, vector<1x16xf32>,
      %swap3A_736 = vector.shape_cast %swap3A_735 : vector<1x16xf32> to vector<16xf32>
      %swap3A_737 = vector.shape_cast %add3A_731 : vector<16xf32> to vector<1x16xf32>
      tpu.vector_store %arg11[%swap3A_733, %swap3A_734], %swap3A_737 {strides = array<i32>} : memref<205x64xf32, #tpu.memory_space<vmem>>, vector<1x16xf32>,
      %get3A_738 = arith.index_cast %add3A_517 : i32 to index
      %get3A_739 = arith.constant 160 : index
      %get3A_740 = tpu.vector_load %arg9[%get3A_738, %get3A_739] {strides = array<i32>} : memref<128x320xf32, #tpu.memory_space<vmem>>, vector<1x16xf32>,
      %get3A_741 = vector.shape_cast %get3A_740 : vector<1x16xf32> to vector<16xf32>
      %get3A_742 = arith.constant 2 : i32
      %get3A_743 = arith.index_cast %get3A_742 : i32 to index
      %get3A_744 = arith.constant 32 : index
      %get3A_745 = tpu.vector_load %arg12[%get3A_743, %get3A_744] {strides = array<i32>} : memref<5x64xf32, #tpu.memory_space<vmem>>, vector<1x16xf32>,
      %get3A_746 = vector.shape_cast %get3A_745 : vector<1x16xf32> to vector<16xf32>
      %mul3A_747 = arith.mulf %get3A_741, %get3A_746 : vector<16xf32>
      %get3A_748 = arith.constant 2 : i32
      %get3A_749 = arith.index_cast %get3A_748 : i32 to index
      %get3A_750 = arith.constant 32 : index
      %get3A_751 = tpu.vector_load %arg13[%get3A_749, %get3A_750] {strides = array<i32>} : memref<5x64xf32, #tpu.memory_space<vmem>>, vector<1x16xf32>,
      %get3A_752 = vector.shape_cast %get3A_751 : vector<1x16xf32> to vector<16xf32>
      %add3A_753 = arith.addf %mul3A_747, %get3A_752 : vector<16xf32>
      %swap3A_754 = arith.constant 202 : i32
      %swap3A_755 = arith.index_cast %swap3A_754 : i32 to index
      %swap3A_756 = arith.constant 32 : index
      %swap3A_757 = tpu.vector_load %arg11[%swap3A_755, %swap3A_756] {strides = array<i32>} : memref<205x64xf32, #tpu.memory_space<vmem>>, vector<1x16xf32>,
      %swap3A_758 = vector.shape_cast %swap3A_757 : vector<1x16xf32> to vector<16xf32>
      %swap3A_759 = vector.shape_cast %add3A_753 : vector<16xf32> to vector<1x16xf32>
      tpu.vector_store %arg11[%swap3A_755, %swap3A_756], %swap3A_759 {strides = array<i32>} : memref<205x64xf32, #tpu.memory_space<vmem>>, vector<1x16xf32>,
      %get3A_760 = arith.index_cast %add3A_517 : i32 to index
      %get3A_761 = arith.constant 176 : index
      %get3A_762 = tpu.vector_load %arg9[%get3A_760, %get3A_761] {strides = array<i32>} : memref<128x320xf32, #tpu.memory_space<vmem>>, vector<1x16xf32>,
      %get3A_763 = vector.shape_cast %get3A_762 : vector<1x16xf32> to vector<16xf32>
      %get3A_764 = arith.constant 2 : i32
      %get3A_765 = arith.index_cast %get3A_764 : i32 to index
      %get3A_766 = arith.constant 48 : index
      %get3A_767 = tpu.vector_load %arg12[%get3A_765, %get3A_766] {strides = array<i32>} : memref<5x64xf32, #tpu.memory_space<vmem>>, vector<1x16xf32>,
      %get3A_768 = vector.shape_cast %get3A_767 : vector<1x16xf32> to vector<16xf32>
      %mul3A_769 = arith.mulf %get3A_763, %get3A_768 : vector<16xf32>
      %get3A_770 = arith.constant 2 : i32
      %get3A_771 = arith.index_cast %get3A_770 : i32 to index
      %get3A_772 = arith.constant 48 : index
      %get3A_773 = tpu.vector_load %arg13[%get3A_771, %get3A_772] {strides = array<i32>} : memref<5x64xf32, #tpu.memory_space<vmem>>, vector<1x16xf32>,
      %get3A_774 = vector.shape_cast %get3A_773 : vector<1x16xf32> to vector<16xf32>
      %add3A_775 = arith.addf %mul3A_769, %get3A_774 : vector<16xf32>
      %swap3A_776 = arith.constant 202 : i32
      %swap3A_777 = arith.index_cast %swap3A_776 : i32 to index
      %swap3A_778 = arith.constant 48 : index
      %swap3A_779 = tpu.vector_load %arg11[%swap3A_777, %swap3A_778] {strides = array<i32>} : memref<205x64xf32, #tpu.memory_space<vmem>>, vector<1x16xf32>,
      %swap3A_780 = vector.shape_cast %swap3A_779 : vector<1x16xf32> to vector<16xf32>
      %swap3A_781 = vector.shape_cast %add3A_775 : vector<16xf32> to vector<1x16xf32>
      tpu.vector_store %arg11[%swap3A_777, %swap3A_778], %swap3A_781 {strides = array<i32>} : memref<205x64xf32, #tpu.memory_space<vmem>>, vector<1x16xf32>,
      %get3A_782 = arith.index_cast %add3A_517 : i32 to index
      %get3A_783 = arith.constant 192 : index
      %get3A_784 = tpu.vector_load %arg9[%get3A_782, %get3A_783] {strides = array<i32>} : memref<128x320xf32, #tpu.memory_space<vmem>>, vector<1x16xf32>,
      %get3A_785 = vector.shape_cast %get3A_784 : vector<1x16xf32> to vector<16xf32>
      %get3A_786 = arith.constant 3 : i32
      %get3A_787 = arith.index_cast %get3A_786 : i32 to index
      %get3A_788 = arith.constant 0 : index
      %get3A_789 = tpu.vector_load %arg12[%get3A_787, %get3A_788] {strides = array<i32>} : memref<5x64xf32, #tpu.memory_space<vmem>>, vector<1x16xf32>,
      %get3A_790 = vector.shape_cast %get3A_789 : vector<1x16xf32> to vector<16xf32>
      %mul3A_791 = arith.mulf %get3A_785, %get3A_790 : vector<16xf32>
      %get3A_792 = arith.constant 3 : i32
      %get3A_793 = arith.index_cast %get3A_792 : i32 to index
      %get3A_794 = arith.constant 0 : index
      %get3A_795 = tpu.vector_load %arg13[%get3A_793, %get3A_794] {strides = array<i32>} : memref<5x64xf32, #tpu.memory_space<vmem>>, vector<1x16xf32>,
      %get3A_796 = vector.shape_cast %get3A_795 : vector<1x16xf32> to vector<16xf32>
      %add3A_797 = arith.addf %mul3A_791, %get3A_796 : vector<16xf32>
      %swap3A_798 = arith.constant 203 : i32
      %swap3A_799 = arith.index_cast %swap3A_798 : i32 to index
      %swap3A_800 = arith.constant 0 : index
      %swap3A_801 = tpu.vector_load %arg11[%swap3A_799, %swap3A_800] {strides = array<i32>} : memref<205x64xf32, #tpu.memory_space<vmem>>, vector<1x16xf32>,
      %swap3A_802 = vector.shape_cast %swap3A_801 : vector<1x16xf32> to vector<16xf32>
      %swap3A_803 = vector.shape_cast %add3A_797 : vector<16xf32> to vector<1x16xf32>
      tpu.vector_store %arg11[%swap3A_799, %swap3A_800], %swap3A_803 {strides = array<i32>} : memref<205x64xf32, #tpu.memory_space<vmem>>, vector<1x16xf32>,
      %get3A_804 = arith.index_cast %add3A_517 : i32 to index
      %get3A_805 = arith.constant 208 : index
      %get3A_806 = tpu.vector_load %arg9[%get3A_804, %get3A_805] {strides = array<i32>} : memref<128x320xf32, #tpu.memory_space<vmem>>, vector<1x16xf32>,
      %get3A_807 = vector.shape_cast %get3A_806 : vector<1x16xf32> to vector<16xf32>
      %get3A_808 = arith.constant 3 : i32
      %get3A_809 = arith.index_cast %get3A_808 : i32 to index
      %get3A_810 = arith.constant 16 : index
      %get3A_811 = tpu.vector_load %arg12[%get3A_809, %get3A_810] {strides = array<i32>} : memref<5x64xf32, #tpu.memory_space<vmem>>, vector<1x16xf32>,
      %get3A_812 = vector.shape_cast %get3A_811 : vector<1x16xf32> to vector<16xf32>
      %mul3A_813 = arith.mulf %get3A_807, %get3A_812 : vector<16xf32>
      %get3A_814 = arith.constant 3 : i32
      %get3A_815 = arith.index_cast %get3A_814 : i32 to index
      %get3A_816 = arith.constant 16 : index
      %get3A_817 = tpu.vector_load %arg13[%get3A_815, %get3A_816] {strides = array<i32>} : memref<5x64xf32, #tpu.memory_space<vmem>>, vector<1x16xf32>,
      %get3A_818 = vector.shape_cast %get3A_817 : vector<1x16xf32> to vector<16xf32>
      %add3A_819 = arith.addf %mul3A_813, %get3A_818 : vector<16xf32>
      %swap3A_820 = arith.constant 203 : i32
      %swap3A_821 = arith.index_cast %swap3A_820 : i32 to index
      %swap3A_822 = arith.constant 16 : index
      %swap3A_823 = tpu.vector_load %arg11[%swap3A_821, %swap3A_822] {strides = array<i32>} : memref<205x64xf32, #tpu.memory_space<vmem>>, vector<1x16xf32>,
      %swap3A_824 = vector.shape_cast %swap3A_823 : vector<1x16xf32> to vector<16xf32>
      %swap3A_825 = vector.shape_cast %add3A_819 : vector<16xf32> to vector<1x16xf32>
      tpu.vector_store %arg11[%swap3A_821, %swap3A_822], %swap3A_825 {strides = array<i32>} : memref<205x64xf32, #tpu.memory_space<vmem>>, vector<1x16xf32>,
      %get3A_826 = arith.index_cast %add3A_517 : i32 to index
      %get3A_827 = arith.constant 224 : index
      %get3A_828 = tpu.vector_load %arg9[%get3A_826, %get3A_827] {strides = array<i32>} : memref<128x320xf32, #tpu.memory_space<vmem>>, vector<1x16xf32>,
      %get3A_829 = vector.shape_cast %get3A_828 : vector<1x16xf32> to vector<16xf32>
      %get3A_830 = arith.constant 3 : i32
      %get3A_831 = arith.index_cast %get3A_830 : i32 to index
      %get3A_832 = arith.constant 32 : index
      %get3A_833 = tpu.vector_load %arg12[%get3A_831, %get3A_832] {strides = array<i32>} : memref<5x64xf32, #tpu.memory_space<vmem>>, vector<1x16xf32>,
      %get3A_834 = vector.shape_cast %get3A_833 : vector<1x16xf32> to vector<16xf32>
      %mul3A_835 = arith.mulf %get3A_829, %get3A_834 : vector<16xf32>
      %get3A_836 = arith.constant 3 : i32
      %get3A_837 = arith.index_cast %get3A_836 : i32 to index
      %get3A_838 = arith.constant 32 : index
      %get3A_839 = tpu.vector_load %arg13[%get3A_837, %get3A_838] {strides = array<i32>} : memref<5x64xf32, #tpu.memory_space<vmem>>, vector<1x16xf32>,
      %get3A_840 = vector.shape_cast %get3A_839 : vector<1x16xf32> to vector<16xf32>
      %add3A_841 = arith.addf %mul3A_835, %get3A_840 : vector<16xf32>
      %swap3A_842 = arith.constant 203 : i32
      %swap3A_843 = arith.index_cast %swap3A_842 : i32 to index
      %swap3A_844 = arith.constant 32 : index
      %swap3A_845 = tpu.vector_load %arg11[%swap3A_843, %swap3A_844] {strides = array<i32>} : memref<205x64xf32, #tpu.memory_space<vmem>>, vector<1x16xf32>,
      %swap3A_846 = vector.shape_cast %swap3A_845 : vector<1x16xf32> to vector<16xf32>
      %swap3A_847 = vector.shape_cast %add3A_841 : vector<16xf32> to vector<1x16xf32>
      tpu.vector_store %arg11[%swap3A_843, %swap3A_844], %swap3A_847 {strides = array<i32>} : memref<205x64xf32, #tpu.memory_space<vmem>>, vector<1x16xf32>,
      %get3A_848 = arith.index_cast %add3A_517 : i32 to index
      %get3A_849 = arith.constant 240 : index
      %get3A_850 = tpu.vector_load %arg9[%get3A_848, %get3A_849] {strides = array<i32>} : memref<128x320xf32, #tpu.memory_space<vmem>>, vector<1x16xf32>,
      %get3A_851 = vector.shape_cast %get3A_850 : vector<1x16xf32> to vector<16xf32>
      %get3A_852 = arith.constant 3 : i32
      %get3A_853 = arith.index_cast %get3A_852 : i32 to index
      %get3A_854 = arith.constant 48 : index
      %get3A_855 = tpu.vector_load %arg12[%get3A_853, %get3A_854] {strides = array<i32>} : memref<5x64xf32, #tpu.memory_space<vmem>>, vector<1x16xf32>,
      %get3A_856 = vector.shape_cast %get3A_855 : vector<1x16xf32> to vector<16xf32>
      %mul3A_857 = arith.mulf %get3A_851, %get3A_856 : vector<16xf32>
      %get3A_858 = arith.constant 3 : i32
      %get3A_859 = arith.index_cast %get3A_858 : i32 to index
      %get3A_860 = arith.constant 48 : index
      %get3A_861 = tpu.vector_load %arg13[%get3A_859, %get3A_860] {strides = array<i32>} : memref<5x64xf32, #tpu.memory_space<vmem>>, vector<1x16xf32>,
      %get3A_862 = vector.shape_cast %get3A_861 : vector<1x16xf32> to vector<16xf32>
      %add3A_863 = arith.addf %mul3A_857, %get3A_862 : vector<16xf32>
      %swap3A_864 = arith.constant 203 : i32
      %swap3A_865 = arith.index_cast %swap3A_864 : i32 to index
      %swap3A_866 = arith.constant 48 : index
      %swap3A_867 = tpu.vector_load %arg11[%swap3A_865, %swap3A_866] {strides = array<i32>} : memref<205x64xf32, #tpu.memory_space<vmem>>, vector<1x16xf32>,
      %swap3A_868 = vector.shape_cast %swap3A_867 : vector<1x16xf32> to vector<16xf32>
      %swap3A_869 = vector.shape_cast %add3A_863 : vector<16xf32> to vector<1x16xf32>
      tpu.vector_store %arg11[%swap3A_865, %swap3A_866], %swap3A_869 {strides = array<i32>} : memref<205x64xf32, #tpu.memory_space<vmem>>, vector<1x16xf32>,
      %get3A_870 = arith.index_cast %add3A_517 : i32 to index
      %get3A_871 = arith.constant 256 : index
      %get3A_872 = tpu.vector_load %arg9[%get3A_870, %get3A_871] {strides = array<i32>} : memref<128x320xf32, #tpu.memory_space<vmem>>, vector<1x16xf32>,
      %get3A_873 = vector.shape_cast %get3A_872 : vector<1x16xf32> to vector<16xf32>
      %get3A_874 = arith.constant 4 : i32
      %get3A_875 = arith.index_cast %get3A_874 : i32 to index
      %get3A_876 = arith.constant 0 : index
      %get3A_877 = tpu.vector_load %arg12[%get3A_875, %get3A_876] {strides = array<i32>} : memref<5x64xf32, #tpu.memory_space<vmem>>, vector<1x16xf32>,
      %get3A_878 = vector.shape_cast %get3A_877 : vector<1x16xf32> to vector<16xf32>
      %mul3A_879 = arith.mulf %get3A_873, %get3A_878 : vector<16xf32>
      %get3A_880 = arith.constant 4 : i32
      %get3A_881 = arith.index_cast %get3A_880 : i32 to index
      %get3A_882 = arith.constant 0 : index
      %get3A_883 = tpu.vector_load %arg13[%get3A_881, %get3A_882] {strides = array<i32>} : memref<5x64xf32, #tpu.memory_space<vmem>>, vector<1x16xf32>,
      %get3A_884 = vector.shape_cast %get3A_883 : vector<1x16xf32> to vector<16xf32>
      %add3A_885 = arith.addf %mul3A_879, %get3A_884 : vector<16xf32>
      %swap3A_886 = arith.constant 204 : i32
      %swap3A_887 = arith.index_cast %swap3A_886 : i32 to index
      %swap3A_888 = arith.constant 0 : index
      %swap3A_889 = tpu.vector_load %arg11[%swap3A_887, %swap3A_888] {strides = array<i32>} : memref<205x64xf32, #tpu.memory_space<vmem>>, vector<1x16xf32>,
      %swap3A_890 = vector.shape_cast %swap3A_889 : vector<1x16xf32> to vector<16xf32>
      %swap3A_891 = vector.shape_cast %add3A_885 : vector<16xf32> to vector<1x16xf32>
      tpu.vector_store %arg11[%swap3A_887, %swap3A_888], %swap3A_891 {strides = array<i32>} : memref<205x64xf32, #tpu.memory_space<vmem>>, vector<1x16xf32>,
      %get3A_892 = arith.index_cast %add3A_517 : i32 to index
      %get3A_893 = arith.constant 272 : index
      %get3A_894 = tpu.vector_load %arg9[%get3A_892, %get3A_893] {strides = array<i32>} : memref<128x320xf32, #tpu.memory_space<vmem>>, vector<1x16xf32>,
      %get3A_895 = vector.shape_cast %get3A_894 : vector<1x16xf32> to vector<16xf32>
      %get3A_896 = arith.constant 4 : i32
      %get3A_897 = arith.index_cast %get3A_896 : i32 to index
      %get3A_898 = arith.constant 16 : index
      %get3A_899 = tpu.vector_load %arg12[%get3A_897, %get3A_898] {strides = array<i32>} : memref<5x64xf32, #tpu.memory_space<vmem>>, vector<1x16xf32>,
      %get3A_900 = vector.shape_cast %get3A_899 : vector<1x16xf32> to vector<16xf32>
      %mul3A_901 = arith.mulf %get3A_895, %get3A_900 : vector<16xf32>
      %get3A_902 = arith.constant 4 : i32
      %get3A_903 = arith.index_cast %get3A_902 : i32 to index
      %get3A_904 = arith.constant 16 : index
      %get3A_905 = tpu.vector_load %arg13[%get3A_903, %get3A_904] {strides = array<i32>} : memref<5x64xf32, #tpu.memory_space<vmem>>, vector<1x16xf32>,
      %get3A_906 = vector.shape_cast %get3A_905 : vector<1x16xf32> to vector<16xf32>
      %add3A_907 = arith.addf %mul3A_901, %get3A_906 : vector<16xf32>
      %swap3A_908 = arith.constant 204 : i32
      %swap3A_909 = arith.index_cast %swap3A_908 : i32 to index
      %swap3A_910 = arith.constant 16 : index
      %swap3A_911 = tpu.vector_load %arg11[%swap3A_909, %swap3A_910] {strides = array<i32>} : memref<205x64xf32, #tpu.memory_space<vmem>>, vector<1x16xf32>,
      %swap3A_912 = vector.shape_cast %swap3A_911 : vector<1x16xf32> to vector<16xf32>
      %swap3A_913 = vector.shape_cast %add3A_907 : vector<16xf32> to vector<1x16xf32>
      tpu.vector_store %arg11[%swap3A_909, %swap3A_910], %swap3A_913 {strides = array<i32>} : memref<205x64xf32, #tpu.memory_space<vmem>>, vector<1x16xf32>,
      %get3A_914 = arith.index_cast %add3A_517 : i32 to index
      %get3A_915 = arith.constant 288 : index
      %get3A_916 = tpu.vector_load %arg9[%get3A_914, %get3A_915] {strides = array<i32>} : memref<128x320xf32, #tpu.memory_space<vmem>>, vector<1x16xf32>,
      %get3A_917 = vector.shape_cast %get3A_916 : vector<1x16xf32> to vector<16xf32>
      %get3A_918 = arith.constant 4 : i32
      %get3A_919 = arith.index_cast %get3A_918 : i32 to index
      %get3A_920 = arith.constant 32 : index
      %get3A_921 = tpu.vector_load %arg12[%get3A_919, %get3A_920] {strides = array<i32>} : memref<5x64xf32, #tpu.memory_space<vmem>>, vector<1x16xf32>,
      %get3A_922 = vector.shape_cast %get3A_921 : vector<1x16xf32> to vector<16xf32>
      %mul3A_923 = arith.mulf %get3A_917, %get3A_922 : vector<16xf32>
      %get3A_924 = arith.constant 4 : i32
      %get3A_925 = arith.index_cast %get3A_924 : i32 to index
      %get3A_926 = arith.constant 32 : index
      %get3A_927 = tpu.vector_load %arg13[%get3A_925, %get3A_926] {strides = array<i32>} : memref<5x64xf32, #tpu.memory_space<vmem>>, vector<1x16xf32>,
      %get3A_928 = vector.shape_cast %get3A_927 : vector<1x16xf32> to vector<16xf32>
      %add3A_929 = arith.addf %mul3A_923, %get3A_928 : vector<16xf32>
      %swap3A_930 = arith.constant 204 : i32
      %swap3A_931 = arith.index_cast %swap3A_930 : i32 to index
      %swap3A_932 = arith.constant 32 : index
      %swap3A_933 = tpu.vector_load %arg11[%swap3A_931, %swap3A_932] {strides = array<i32>} : memref<205x64xf32, #tpu.memory_space<vmem>>, vector<1x16xf32>,
      %swap3A_934 = vector.shape_cast %swap3A_933 : vector<1x16xf32> to vector<16xf32>
      %swap3A_935 = vector.shape_cast %add3A_929 : vector<16xf32> to vector<1x16xf32>
      tpu.vector_store %arg11[%swap3A_931, %swap3A_932], %swap3A_935 {strides = array<i32>} : memref<205x64xf32, #tpu.memory_space<vmem>>, vector<1x16xf32>,
      %get3A_936 = arith.index_cast %add3A_517 : i32 to index
      %get3A_937 = arith.constant 304 : index
      %get3A_938 = tpu.vector_load %arg9[%get3A_936, %get3A_937] {strides = array<i32>} : memref<128x320xf32, #tpu.memory_space<vmem>>, vector<1x16xf32>,
      %get3A_939 = vector.shape_cast %get3A_938 : vector<1x16xf32> to vector<16xf32>
      %get3A_940 = arith.constant 4 : i32
      %get3A_941 = arith.index_cast %get3A_940 : i32 to index
      %get3A_942 = arith.constant 48 : index
      %get3A_943 = tpu.vector_load %arg12[%get3A_941, %get3A_942] {strides = array<i32>} : memref<5x64xf32, #tpu.memory_space<vmem>>, vector<1x16xf32>,
      %get3A_944 = vector.shape_cast %get3A_943 : vector<1x16xf32> to vector<16xf32>
      %mul3A_945 = arith.mulf %get3A_939, %get3A_944 : vector<16xf32>
      %get3A_946 = arith.constant 4 : i32
      %get3A_947 = arith.index_cast %get3A_946 : i32 to index
      %get3A_948 = arith.constant 48 : index
      %get3A_949 = tpu.vector_load %arg13[%get3A_947, %get3A_948] {strides = array<i32>} : memref<5x64xf32, #tpu.memory_space<vmem>>, vector<1x16xf32>,
      %get3A_950 = vector.shape_cast %get3A_949 : vector<1x16xf32> to vector<16xf32>
      %add3A_951 = arith.addf %mul3A_945, %get3A_950 : vector<16xf32>
      %swap3A_952 = arith.constant 204 : i32
      %swap3A_953 = arith.index_cast %swap3A_952 : i32 to index
      %swap3A_954 = arith.constant 48 : index
      %swap3A_955 = tpu.vector_load %arg11[%swap3A_953, %swap3A_954] {strides = array<i32>} : memref<205x64xf32, #tpu.memory_space<vmem>>, vector<1x16xf32>,
      %swap3A_956 = vector.shape_cast %swap3A_955 : vector<1x16xf32> to vector<16xf32>
      %swap3A_957 = vector.shape_cast %add3A_951 : vector<16xf32> to vector<1x16xf32>
      tpu.vector_store %arg11[%swap3A_953, %swap3A_954], %swap3A_957 {strides = array<i32>} : memref<205x64xf32, #tpu.memory_space<vmem>>, vector<1x16xf32>,
      %dma_wait3A_958 = arith.constant 0 : i32
      %dma_wait3A_959 = arith.constant 0 : i32
      %dma_wait3A_960 = tpu.memref_slice %arg11[%dma_wait3A_958, %dma_wait3A_959] : memref<205x64xf32, #tpu.memory_space<vmem>> -> memref<128x64xf32, #tpu.memory_space<vmem>>
      %dma_wait3A_961 = arith.constant 0 : i32
      %dma_wait3A_962 = arith.constant 0 : i32
      %dma_wait3A_963 = tpu.memref_slice %arg3[%dma_wait3A_961, %dma_wait3A_962] : memref<100000x64xf32, #tpu.memory_space<hbm>> -> memref<128x64xf32, #tpu.memory_space<hbm>>
      %dma_wait3A_964 = arith.constant 0 : i32
      %dma_wait3A_965 = arith.constant 0 : i32
      %dma_wait3A_966 = tpu.memref_slice %arg11[%dma_wait3A_964, %dma_wait3A_965] : memref<205x64xf32, #tpu.memory_space<vmem>> -> memref<128x64xf32, #tpu.memory_space<vmem>>
      %dma_wait3A_967 = arith.constant 0 : i32
      %dma_wait3A_968 = arith.constant 0 : i32
      %dma_wait3A_969 = tpu.memref_slice %arg3[%dma_wait3A_967, %dma_wait3A_968] : memref<100000x64xf32, #tpu.memory_space<hbm>> -> memref<128x64xf32, #tpu.memory_space<hbm>>
      tpu.wait_dma2 semaphore(%arg15 : memref<!tpu.dma_semaphore, #tpu.memory_space<semaphore_mem>>) src(%dma_wait3A_969 : memref<128x64xf32, #tpu.memory_space<hbm>>) dst(%dma_wait3A_966 : memref<128x64xf32, #tpu.memory_space<vmem>>)
      %dma_wait3A_970 = arith.constant 128 : i32
      %dma_wait3A_971 = arith.constant 0 : i32
      %dma_wait3A_972 = tpu.memref_slice %arg11[%dma_wait3A_970, %dma_wait3A_971] : memref<205x64xf32, #tpu.memory_space<vmem>> -> memref<72x64xf32, #tpu.memory_space<vmem>>
      %dma_wait3A_973 = arith.constant 0 : i32
      %dma_wait3A_974 = arith.constant 0 : i32
      %dma_wait3A_975 = tpu.memref_slice %arg3[%dma_wait3A_973, %dma_wait3A_974] : memref<100000x64xf32, #tpu.memory_space<hbm>> -> memref<72x64xf32, #tpu.memory_space<hbm>>
      %dma_wait3A_976 = arith.constant 128 : i32
      %dma_wait3A_977 = arith.constant 0 : i32
      %dma_wait3A_978 = tpu.memref_slice %arg11[%dma_wait3A_976, %dma_wait3A_977] : memref<205x64xf32, #tpu.memory_space<vmem>> -> memref<72x64xf32, #tpu.memory_space<vmem>>
      %dma_wait3A_979 = arith.constant 0 : i32
      %dma_wait3A_980 = arith.constant 0 : i32
      %dma_wait3A_981 = tpu.memref_slice %arg3[%dma_wait3A_979, %dma_wait3A_980] : memref<100000x64xf32, #tpu.memory_space<hbm>> -> memref<72x64xf32, #tpu.memory_space<hbm>>
      tpu.wait_dma2 semaphore(%arg15 : memref<!tpu.dma_semaphore, #tpu.memory_space<semaphore_mem>>) src(%dma_wait3A_981 : memref<72x64xf32, #tpu.memory_space<hbm>>) dst(%dma_wait3A_978 : memref<72x64xf32, #tpu.memory_space<vmem>>)
      %add3A_982 = arith.addi %mul3A_2, %add3A_517 : i32
      "tpu.region"() ({
        %run_scoped3A = tpu.sem_alloc : memref<!tpu.dma_semaphore, #tpu.memory_space<semaphore_mem>>
        %dma_start3A_983 = arith.constant 5 : i32
        %dma_start3A_984 = arith.constant 0 : i32
        %dma_start3A_985 = tpu.memref_slice %arg11[%dma_start3A_983, %dma_start3A_984] : memref<205x64xf32, #tpu.memory_space<vmem>> -> memref<200x64xf32, #tpu.memory_space<vmem>>
        %dma_start3A_986 = arith.constant 0 : i32
        %dma_start3A_987 = arith.constant 0 : i32
        %dma_start3A_988 = tpu.memref_slice %arg7[%add3A_982, %dma_start3A_986, %dma_start3A_987] : memref<4096x200x64xf32, #tpu.memory_space<hbm>> -> memref<1x200x64xf32, #tpu.memory_space<hbm>>
        %dma_start3A_989 = tpu.memref_squeeze %dma_start3A_988 : memref<1x200x64xf32, #tpu.memory_space<hbm>> -> memref<200x64xf32, #tpu.memory_space<hbm>>
        %dma_start3A_990 = arith.constant 0 : i32
        %dma_start3A_991 = arith.constant 0 : i32
        %dma_start3A_992 = tpu.memref_slice %arg7[%add3A_982, %dma_start3A_990, %dma_start3A_991] : memref<4096x200x64xf32, #tpu.memory_space<hbm>> -> memref<1x200x64xf32, #tpu.memory_space<hbm>>
        %dma_start3A_993 = tpu.memref_squeeze %dma_start3A_992 : memref<1x200x64xf32, #tpu.memory_space<hbm>> -> memref<200x64xf32, #tpu.memory_space<hbm>>
        %dma_start3A_994 = arith.constant 5 : i32
        %dma_start3A_995 = arith.constant 0 : i32
        %dma_start3A_996 = tpu.memref_slice %arg11[%dma_start3A_994, %dma_start3A_995] : memref<205x64xf32, #tpu.memory_space<vmem>> -> memref<200x64xf32, #tpu.memory_space<vmem>>
        tpu.enqueue_dma source(%dma_start3A_996 : memref<200x64xf32, #tpu.memory_space<vmem>>) target(%dma_start3A_993 : memref<200x64xf32, #tpu.memory_space<hbm>>) target_semaphore(%run_scoped3A : memref<!tpu.dma_semaphore, #tpu.memory_space<semaphore_mem>>)
        %dma_wait3A_997 = arith.constant 5 : i32
        %dma_wait3A_998 = arith.constant 0 : i32
        %dma_wait3A_999 = tpu.memref_slice %arg11[%dma_wait3A_997, %dma_wait3A_998] : memref<205x64xf32, #tpu.memory_space<vmem>> -> memref<200x64xf32, #tpu.memory_space<vmem>>
        %dma_wait3A_1000 = arith.constant 0 : i32
        %dma_wait3A_1001 = arith.constant 0 : i32
        %dma_wait3A_1002 = tpu.memref_slice %arg7[%add3A_982, %dma_wait3A_1000, %dma_wait3A_1001] : memref<4096x200x64xf32, #tpu.memory_space<hbm>> -> memref<1x200x64xf32, #tpu.memory_space<hbm>>
        %dma_wait3A_1003 = tpu.memref_squeeze %dma_wait3A_1002 : memref<1x200x64xf32, #tpu.memory_space<hbm>> -> memref<200x64xf32, #tpu.memory_space<hbm>>
        %dma_wait3A_1004 = arith.constant 0 : i32
        %dma_wait3A_1005 = arith.constant 0 : i32
        %dma_wait3A_1006 = tpu.memref_slice %arg7[%add3A_982, %dma_wait3A_1004, %dma_wait3A_1005] : memref<4096x200x64xf32, #tpu.memory_space<hbm>> -> memref<1x200x64xf32, #tpu.memory_space<hbm>>
        %dma_wait3A_1007 = tpu.memref_squeeze %dma_wait3A_1006 : memref<1x200x64xf32, #tpu.memory_space<hbm>> -> memref<200x64xf32, #tpu.memory_space<hbm>>
        %dma_wait3A_1008 = arith.constant 5 : i32
        %dma_wait3A_1009 = arith.constant 0 : i32
        %dma_wait3A_1010 = tpu.memref_slice %arg11[%dma_wait3A_1008, %dma_wait3A_1009] : memref<205x64xf32, #tpu.memory_space<vmem>> -> memref<200x64xf32, #tpu.memory_space<vmem>>
        tpu.wait_dma2 semaphore(%run_scoped3A : memref<!tpu.dma_semaphore, #tpu.memory_space<semaphore_mem>>) src(%dma_wait3A_1010 : memref<200x64xf32, #tpu.memory_space<vmem>>) dst(%dma_wait3A_1007 : memref<200x64xf32, #tpu.memory_space<hbm>>)
        tpu.yield
      }) : () -> ()
    }
    %scan3A_26 = arith.constant 64 : i32
    return
  }
}

</mosaic_0001>

<sc_bundles>
// kernel: kernel.3.cloned.1.call-start
scs
__scs_entry_jumppad:
0x0: {  	(pc) =	sbr.rel $0x88, $3  }
0x1: {  	(tag) =	ssettag $0x0;
	lr =	simm.s32 $0x1  }
0x2: {  	[smem:$0x3F9D] =	sst lr;
	_ =	strace $0xD0000000  }
0x3: {  	_ = 	snop  }
0x4: {  	_ = 	snop  }
0x5: {  	_ = 	snop  }
0x6: {  	_ = 	snop  }
0x7: {  	_ = 	snop  }
__scs_overlays_trampoline_lowered:
0x8: {  	[smem:$0x3FAC] =	sst s0  }
0x9: {  	[smem:$0x3FAD] =	sst s1  }
0xa: {  	[smem:$0x3FAE] =	sst s2  }
0xb: {  	[smem:$0x3FAF] =	sst s3  }
0xc: {  	[smem:$0x3FB0] =	sst s4  }
0xd: {  	[smem:$0x3FB1] =	sst s5  }
0xe: {  	[smem:$0x3FB2] =	sst s6  }
0xf: {  	[smem:$0x3FB3] =	sst s7  }
0x10: {  	[smem:$0x3FB4] =	sst s8  }
0x11: {  	[smem:$0x3FB5] =	sst s9;
	s0 =	simm.s32 @!p0 $0x0  }
0x12: {  	s1 =	sld [smem:$0x3F9B];
	s0 =	simm.s32 @p0 $0x1  }
0x13: {  	[smem:$0x3FB6] =	sst s0;
	s0 =	simm.s32 @!p1 $0x0  }
0x14: {  	s2 =	sld [smem:$0x3F9A];
	s0 =	simm.s32 @p1 $0x1  }
0x15: {  	[smem:$0x3FB7] =	sst s0;
	s0 =	simm.s32 @!p2 $0x0  }
0x16: {  	s3 =	sld [smem:$0x3FDB];
	s0 =	simm.s32 @p2 $0x1  }
0x17: {  	s4 =	simm.s32 $0x1BF5;
	[smem:$0x3FB9] =	sst s0  }
0x18: {  	s0 =	sld [smem:$0x3F9C];
	_ =	swait.ge [sflag:s4], $0x0  }
0x19: {  	s7 =	sld [smem:$0x3F9D]  }
0x1a: {  	s8 =	sadd.s32 $0xFFFFE003, lr  }
0x1b: {  	s9 =	sadd.s32 $0xFFFFFEF7, lr;
	s5 =	simm.s32 $0xFFFFFFFF;
	p2 =	slt.u32 s8, $0xFFFFF086  }
0x1c: {  	p1 =	slt.u32 s9, $0xF7A;
	s5 =	simm.s32 @!p2 $0x0  }
0x1d: {  	s5 =	simm.s32 @p1 $0x1;
	p0 =	seq.s32 s7, s2  }
0x1e: {  	s7 =	smul.u32 @!p0 $0xF7A, s2;
	p2 =	seq.s32 @!p0 s5, $0x0  }
0x1f: {  	s9 =	smul.u32 $0xF7A, s1;
	s8 =	simm.s32 @!p0 $0x1BF5;
	p2 =	por !p2, p0  }
0x20: {  	[sflag:s8] =	ssyncset.s32 @!p0 $0xFFFFF086;
	s6 =	sadd.s32 @!p0 s3, s7;
	s7 =	simm.s32 @!p0 $0x108  }
0x21: {  	s3 =	sadd.s32 s3, s9;
	s6 =	sadd.s32 @!p0 $0x88, s6;
	s7 =	simm.s32 @p2 $0x1082  }
0x22: {  	[simem:s7], [sflag:s8] =	dma.local @!p0 [hbm:s6], $0xF7A  }
0x23: {  	s9 =	sor.u32 $0xD0000000, s2;
	s6 =	simm.s32 $0x108;
	_ =	swait.ge @!p0 [sflag:s8], $0x0  }
0x24: {  	s3 =	sadd.s32 $0x88, s3;
	s6 =	simm.s32 @!p1 $0x1082;
	[sflag:s4] =	ssyncset.s32 $0xFFFFF086  }
0x25: {  	[simem:s6], [sflag:s4] =	dma.local [hbm:s3], $0xF7A  }
0x26: {  	[smem:$0x3F9D] =	sst s1;
	(tag) =	ssettag s2;
	_ =	strace s9  }
0x27: {  	s1 =	sld [smem:$0x3FAD]  }
0x28: {  	s2 =	sld [smem:$0x3FAE]  }
0x29: {  	s4 =	sld [smem:$0x3FB0]  }
0x2a: {  	p0 =	seq.s32 s5, $0x0;
	s5 =	sld [smem:$0x3FB1]  }
0x2b: {  	s6 =	sld [smem:$0x3FB2]  }
0x2c: {  	s7 =	sld [smem:$0x3FB3]  }
0x2d: {  	s3 =	simm.s32 $0x108;
	s8 =	sld [smem:$0x3FB4]  }
0x2e: {  	s3 =	simm.s32 @!p0 $0x1082;
	s9 =	sld [smem:$0x3FB5]  }
0x2f: {  	lr =	sadd.s32 s0, s3;
	s0 =	sld [smem:$0x3FAC]  }
0x30: {  	s3 =	sld [smem:$0x3FAF]  }
0x31: {  	[smem:$0x3FB8] =	sst s10  }
0x32: {  	s10 =	sld [smem:$0x3FB6];
	_ =	sdelay $0x3  }
0x33: {  	p0 =	seq.s32 s10, $0x1;
	s10 =	sld [smem:$0x3FB8];
	_ =	sdelay $0x3  }
0x34: {  	[smem:$0x3FB8] =	sst s10  }
0x35: {  	s10 =	sld [smem:$0x3FB7];
	_ =	sdelay $0x3  }
0x36: {  	p1 =	seq.s32 s10, $0x1;
	s10 =	sld [smem:$0x3FB8];
	_ =	sdelay $0x3  }
0x37: {  	[smem:$0x3FB8] =	sst s10  }
0x38: {  	s10 =	sld [smem:$0x3FB9]  }
0x39: {  	_ = 	snop;
	(pc) =	sbr.ind lr, $3  }
0x3a: {  	_ = 	snop  }
0x3b: {  	_ = 	snop  }
0x3c: {  	p2 =	seq.s32 s10, $0x1;
	s10 =	sld [smem:$0x3FB8]  }
0x3d: {  	_ =	shalt  }
0x3e: {  	_ =	shalt  }
0x3f: {  	_ =	shalt  }
0x40: {  	_ =	shalt  }
0x41: {  	_ =	shalt  }
0x42: {  	_ =	shalt  }
0x43: {  	_ =	shalt  }
0x44: {  	_ =	shalt  }
0x45: {  	_ =	shalt  }
0x46: {  	_ =	shalt  }
0x47: {  	_ =	shalt  }
0x48: {  	_ =	shalt  }
0x49: {  	_ =	shalt  }
0x4a: {  	_ =	shalt  }
0x4b: {  	_ =	shalt  }
0x4c: {  	_ =	shalt  }
0x4d: {  	_ =	shalt  }
0x4e: {  	_ =	shalt  }
0x4f: {  	_ =	shalt  }
0x50: {  	_ =	shalt  }
0x51: {  	_ =	shalt  }
0x52: {  	_ =	shalt  }
0x53: {  	_ =	shalt  }
0x54: {  	_ =	shalt  }
0x55: {  	_ =	shalt  }
0x56: {  	_ =	shalt  }
0x57: {  	_ =	shalt  }
0x58: {  	_ =	shalt  }
0x59: {  	_ =	shalt  }
0x5a: {  	_ =	shalt  }
0x5b: {  	_ =	shalt  }
0x5c: {  	_ =	shalt  }
0x5d: {  	_ =	shalt  }
0x5e: {  	_ =	shalt  }
0x5f: {  	_ =	shalt  }
0x60: {  	_ =	shalt  }
0x61: {  	_ =	shalt  }
0x62: {  	_ =	shalt  }
0x63: {  	_ =	shalt  }
0x64: {  	_ =	shalt  }
0x65: {  	_ =	shalt  }
0x66: {  	_ =	shalt  }
0x67: {  	_ =	shalt  }
0x68: {  	_ =	shalt  }
0x69: {  	_ =	shalt  }
0x6a: {  	_ =	shalt  }
0x6b: {  	_ =	shalt  }
0x6c: {  	_ =	shalt  }
0x6d: {  	_ =	shalt  }
0x6e: {  	_ =	shalt  }
0x6f: {  	_ =	shalt  }
0x70: {  	_ =	shalt  }
0x71: {  	_ =	shalt  }
0x72: {  	_ =	shalt  }
0x73: {  	_ =	shalt  }
0x74: {  	_ =	shalt  }
0x75: {  	_ =	shalt  }
0x76: {  	_ =	shalt  }
0x77: {  	_ =	shalt  }
0x78: {  	_ =	shalt  }
0x79: {  	_ =	shalt  }
0x7a: {  	_ =	shalt  }
0x7b: {  	_ =	shalt  }
0x7c: {  	_ =	shalt  }
0x7d: {  	_ =	shalt  }
0x7e: {  	_ =	shalt  }
0x7f: {  	_ =	shalt  }
0x80: {  	_ =	shalt  }
0x81: {  	_ =	shalt  }
0x82: {  	_ =	shalt  }
0x83: {  	_ =	shalt  }
0x84: {  	_ =	shalt  }
0x85: {  	_ =	shalt  }
0x86: {  	_ =	shalt  }
0x87: {  	_ =	shalt  }
.Lfunc_end0:
.L_simem_size_0:
called_computation.1_lowered:
.L_overlay_start_0:
0x88: {  	s2 =	sld [smem:$0x3FD9]  }
0x89: {  	s3 =	sld [smem:$0x3FFE];
	_ =	sdelay $0x1  }
0x8a: {  	s1 =	srdreg.scid  }
0x8b: {  	s0 =	sand.u32 $0x1, s1  }
0x8c: {  	s17 =	sshll.u32 s0, $0xA;
	s2 =	sadd.s32 s3, s2  }
0x8d: {  	s2 =	sadd.s32 s2, s17  }
0x8e: {  	[smem:$0x3FC4] =	sst s2  }
0x8f: {  	_ = 	snop  }
0x90: {  	s2 =	sld [smem:$0x3FD0];
	(tm) =	ssettm $0x1  }
0x91: {  	s18 =	sld [smem:$0x3FFB];
	_ =	sdelay $0x3  }
0x92: {  	_ =	strace s18  }
0x93: {  	s3 =	sld [smem:$0x3FFC];
	_ =	sdelay $0x3  }
0x94: {  	_ =	strace s3  }
0x95: {  	s3 =	sld [smem:$0x3FFD];
	_ =	sdelay $0x3  }
0x96: {  	_ =	strace s3  }
0x97: {  	_ =	strace $0x8FFFFFFF  }
0x98: {  	s19 =	sld [smem:$0x3FDB];
	_ =	sdelay $0x1  }
0x99: {  	s4 =	simm.s32 $_scs_section_size  }
0x9a: {  	s5 =	simm.s32 $_size__tile_overlayer_lowered;
	s6 =	simm.s32 $_tile_overlayer_lowered  }
0x9b: {  	s22 =	simm.s32 $0x1BFF;
	s21 =	sshll.u32 s6, $0x1;
	s3 =	sadd.s32 s4, s19  }
0x9c: {  	s7 =	simm.s32 $0x0;
	s20 =	sshll.u32 s5, $0x1;
	s5 =	sadd.s32 s21, s3  }
0x9d: {  	[timem:s7], [sflag:s22] =	dma.local [hbm:s5], s20  }
0x9e: {  	_ =	swait.ge [sflag:s22], s20  }
0x9f: {  	s4 =	ssub.s32 $0x0, s20;
	[sflag:s22] =	ssyncset.done $0x0  }
0xa0: {  	[sflag:s22] =	ssyncadd.s32 s4;
	_ =	sdelay $0x1  }
0xa1: {  	s23 =	simm.s32 $0x1B8B  }
0xa2: {  	_ =	swait.ge [sflag:s23], $0x1  }
0xa3: {  	[sflag:s23] =	ssyncset.done $0x0  }
0xa4: {  	s25 =	simm.s32 $0x1B8E;
	s24 =	sld [smem:$0x3FFE];
	[sflag:s23] =	ssyncadd.s32 $0xFFFFFFFF  }
0xa5: {  	s26 =	simm.s32 $execute0_lowered;
	[smem:$0x3FD2] =	sst s25  }
0xa6: {  	s5 =	sshll.u32 s26, $0x1;
	_ =	strace $0x80000046;
	[dreg:$0x1] =	wrdreg $0xFFFFFFFF  }
0xa7: {  	s28 =	simm.s32 $_size_execute0_lowered;
	s3 =	sadd.s32 s3, s5;
	[dreg:$0x0] =	wrdreg $0x0  }
0xa8: {  	s5 =	sshll.u32 s28, $0x1;
	[dreg:$0x2] =	wrdreg s3  }
0xa9: {  	[dreg:$0x3] =	wrdreg s5  }
0xaa: {  	[dreg:$0x4] =	wrdreg $0xC0  }
0xab: {  	_ =	task [dreg:s7], $0x5FFFF  }
0xac: {  	[dreg:$0x1] =	wrdreg $0xFFFFFFFF  }
0xad: {  	[dreg:$0x0] =	wrdreg $0x60  }
0xae: {  	[dreg:$0x2] =	wrdreg s24  }
0xaf: {  	[dreg:$0x3] =	wrdreg s2  }
0xb0: {  	[dreg:$0x4] =	wrdreg $0x9  }
0xb1: {  	_ =	task.clear_ibuf [dreg:s7], $0x5FFFF;
	_ =	strace $0x90000046  }
0xb2: {  	s29 =	simm.s32 $0x9;
	_ =	strace $0x80000048  }
0xb3: {  	_ =	swait.ge [sflag:s29], $0x1  }
0xb4: {  	[sflag:s29] =	ssyncadd.s32 $0xFFFFFFFF  }
0xb5: {  	_ =	strace $0x90000048  }
0xb6: {  	_ =	sfence  }
0xb7: {  	s30 =	sld [smem:$0x0];
	_ =	sdelay $0x2  }
0xb8: {  	s31 =	sshll.u32 s1, $0xD;
	s1 =	sshrl.u32 s1, $0x2  }
0xb9: {  	s3 =	sand.u32 $0x4000, s31;
	s1 =	sadd.s32 s1, s30  }
0xba: {  	s0 =	sor.u32 s3, s0;
	s1 =	sshll.u32 s1, $0x11  }
0xbb: {  	s0 =	sor.u32 s1, s0  }
0xbc: {  	s0 =	sadd.s32 $0x8F2B, s0  }
0xbd: {  	[sflag:s0] =	ssyncadd.remote.s32 $0x1  }
0xbe: {  	_ =	sfence.sel $0xFFFF  }
0xbf: {  	[dreg:$0x0] =	wrdreg $0xFFFFFFFF;
	(pc) =	sbr.abs _section_cstart, $3  }
0xc0: {  	[dreg:$0x1] =	wrdreg $0xFFFFFFFF  }
0xc1: {  	_ =	task.clear_ibuf [dreg:s7], $0x2FFFF;
	_ =	strace $0x9FFFFFFF  }
0xc2: {  	(tm) =	ssettm $0x7FFFFFFF  }
0xc3: {  	_ =	shalt  }
tec
execute0_lowered:
.L_overlay_start_1:
0x0: {  	(tag) =	ssettag $0x1  }
0x1: {  	s1 =	srdreg.scid;
	s5 =	rddreg [dreg:$0x0]  }
0x2: {  	s0 =	stileid.u32;
	s7 =	rddreg [dreg:$0x1]  }
0x3: {  	s14 =	simm.s32 $0x80;
	s15 =	simm.s32 $0x10400;
	s16 =	simm.s32 $0x48  }
0x4: {  	s17 =	simm.s32 $0x12400;
	s18 =	simm.s32 $0x13740;
	s19 =	simm.s32 $0x15740  }
0x5: {  	s20 =	simm.s32 $0x1;
	s21 =	simm.s32 $0x10540;
	s22 =	simm.s32 $0x2  }
0x6: {  	s23 =	simm.s32 $0x13880;
	s24 =	simm.s32 $0x0;
	s6 =	sand.u32 $0x1, s1  }
0x7: {  	s30 =	sshll.u32 s0, $0x8;
	s11 =	smul.u32 $0x64000, s0;
	s2 =	sshll.u32 s6, $0x7  }
0x8: {  	s10 =	ssub.s32 $0x2, s6;
	s13 =	smul.u32 $0x32000, s6;
	s3 =	sor.u32 s2, s30  }
0x9: {  	s2 =	simm.s32 $0x0;
	s12 =	sshrl.u32 s10, $0x1;
	s31 =	sadd.s32 s11, s7  }
0xa: {  	s11 =	simm.s32 $0x3;
	s4 =	smul.u32 $0x19, s3;
	[smem:$0x7FF] =	sst s2  }
0xb: {  	s8 =	smul.u32 $0x28, s3;
	s3 =	sadd.s32 $0x42000, s5;
	s10 =	ssub.s32 s10, s12  }
0xc: {  	s12 =	simm.s32 $0x16BC0;
	_ =	strace $0x80000047;
	s9 =	sadd.s32 s4, s5  }
0xd: {  	s8 =	sadd.s32 s8, s5;
	s4 =	sadd.s32 $0xC00, s5;
	s5 =	sadd.s32 $0xE00, s5  }
0xe: {  	s6 =	sadd.s32 $0x1000, s9;
	s7 =	sadd.s32 $0x1A000, s8;
	s8 =	smax.u32 s10, $0x1  }
0xf: {  	s9 =	sadd.s32 s13, s31;
	s10 =	simm.s32 $0x16A80;
	s13 =	simm.s32 $0x6400  }
.LBB2_1:
0x10: {  	[tilespmem:s10], [sflag:$0x3] =	stream.linear.gather [hbm4b:s4+s2], $0x140, $0x38;
	[tilespmem:$0x16D00] =	vst v63  }
0x11: {  	_ =	swait.ge [sflag:s11], $0x140  }
0x12: {  	[sflag:s11] =	ssyncset.done $0x0  }
0x13: {  	[sflag:s11] =	ssyncadd.s32 $0xFFFFFEC0  }
0x14: {  	[tilespmem:s12], [sflag:$0x3] =	stream.linear.gather [hbm4b:s5+s2], $0x140, $0x38;
	[tilespmem:$0x16D00] =	vst v63  }
0x15: {  	_ =	swait.ge [sflag:s11], $0x140  }
0x16: {  	[sflag:s11] =	ssyncset.done $0x0  }
0x17: {  	[sflag:s11] =	ssyncadd.s32 $0xFFFFFEC0  }
0x18: {  	[tilespmem:s2], [sflag:$0x3] =	stream.linear.gather [hbm4b:s6+s2], $0x6400, $0x38;
	[tilespmem:$0x16D00] =	vst v63  }
0x19: {  	_ =	swait.ge [sflag:s11], $0x6400  }
0x1a: {  	[sflag:s11] =	ssyncset.done $0x0  }
0x1b: {  	[sflag:s11] =	ssyncadd.s32 $0xFFFF9C00  }
0x1c: {  	[tilespmem:s13], [sflag:$0x3] =	stream.linear.gather [hbm4b:s7+s2], $0xA000, $0x38;
	[tilespmem:$0x16D00] =	vst v63  }
0x1d: {  	_ =	swait.ge [sflag:s11], $0xA000  }
0x1e: {  	[sflag:s11] =	ssyncset.done $0x0  }
0x1f: {  	[sflag:s11] =	ssyncadd.s32 $0xFFFF6000  }
0x20: {  	[tilespmem:s15], [sflag:$0x1] =	stream.indirect.gather [hbm4b:s3+s14], $0x40, s2, s14, $0xb8;
	[tilespmem:$0x16D00] =	vst v63  }
0x21: {  	s25 =	simm.s32 $0x6540;
	s26 =	smov.u32 s9;
	s28 =	simm.s32 $0x0  }
0x22: {  	[tilespmem:s17], [sflag:$0x1] =	stream.indirect.gather [hbm4b:s3+s16], $0x40, s14, s16, $0xb8;
	[tilespmem:$0x16D00] =	vst v63  }
.LBB2_2:
0x23: {  	s29 =	sshra.s32 s28, $0x2  }
0x24: {  	s30 =	sadd.s32 $0xC8, s29  }
0x25: {  	[tilespmem:s18], [sflag:$0x2] =	stream.indirect.gather [hbm4b:s3+s14], $0x40, s30, s14, $0xb8;
	[tilespmem:$0x16D00] =	vst v63  }
0x26: {  	s29 =	sadd.s32 $0x148, s29  }
0x27: {  	[tilespmem:s19], [sflag:$0x2] =	stream.indirect.gather [hbm4b:s3+s16], $0x40, s29, s16, $0xb8;
	[tilespmem:$0x16D00] =	vst v63  }
0x28: {  	v0 =	vld [tilespmem:s25+$0xFFFFFEC0]  }
0x29: {  	v1 =	vld [tilespmem:$0x16A80];
	_ =	sdelay $0x1  }
0x2a: {  	v2 =	vld [tilespmem:$0x16BC0];
	_ =	sdelay $0x2  }
0x2b: {  	v0 =	vmul.f32 v1, v0;
	_ =	sdelay $0x1  }
0x2c: {  	v0 =	vadd.f32 v2, v0;
	_ =	sdelay $0x1  }
0x2d: {  	v45 =	vld [tilespmem:$0x16A90];
	[tilespmem:$0x13600] =	vst v0  }
0x2e: {  	v0 =	vld [tilespmem:s25+$0xFFFFFED0];
	_ =	sdelay $0x1  }
0x2f: {  	v46 =	vld [tilespmem:$0x16BD0];
	_ =	sdelay $0x2  }
0x30: {  	v0 =	vmul.f32 v45, v0;
	_ =	sdelay $0x1  }
0x31: {  	v0 =	vadd.f32 v46, v0;
	_ =	sdelay $0x1  }
0x32: {  	v47 =	vld [tilespmem:$0x16AA0];
	[tilespmem:$0x13610] =	vst v0  }
0x33: {  	v0 =	vld [tilespmem:s25+$0xFFFFFEE0];
	_ =	sdelay $0x1  }
0x34: {  	v48 =	vld [tilespmem:$0x16BE0];
	_ =	sdelay $0x2  }
0x35: {  	v0 =	vmul.f32 v47, v0;
	_ =	sdelay $0x1  }
0x36: {  	v0 =	vadd.f32 v48, v0;
	_ =	sdelay $0x1  }
0x37: {  	v49 =	vld [tilespmem:$0x16AB0];
	[tilespmem:$0x13620] =	vst v0  }
0x38: {  	v0 =	vld [tilespmem:s25+$0xFFFFFEF0];
	_ =	sdelay $0x1  }
0x39: {  	v50 =	vld [tilespmem:$0x16BF0];
	_ =	sdelay $0x2  }
0x3a: {  	v0 =	vmul.f32 v49, v0;
	_ =	sdelay $0x1  }
0x3b: {  	v0 =	vadd.f32 v50, v0;
	_ =	sdelay $0x1  }
0x3c: {  	v51 =	vld [tilespmem:$0x16AC0];
	[tilespmem:$0x13630] =	vst v0  }
0x3d: {  	v0 =	vld [tilespmem:s25+$0xFFFFFF00];
	_ =	sdelay $0x1  }
0x3e: {  	v52 =	vld [tilespmem:$0x16C00];
	_ =	sdelay $0x2  }
0x3f: {  	v0 =	vmul.f32 v51, v0;
	_ =	sdelay $0x1  }
0x40: {  	v0 =	vadd.f32 v52, v0;
	_ =	sdelay $0x1  }
0x41: {  	v53 =	vld [tilespmem:$0x16AD0];
	[tilespmem:$0x13640] =	vst v0  }
0x42: {  	v0 =	vld [tilespmem:s25+$0xFFFFFF10];
	_ =	sdelay $0x1  }
0x43: {  	v54 =	vld [tilespmem:$0x16C10];
	_ =	sdelay $0x2  }
0x44: {  	v0 =	vmul.f32 v53, v0;
	_ =	sdelay $0x1  }
0x45: {  	v0 =	vadd.f32 v54, v0;
	_ =	sdelay $0x1  }
0x46: {  	v55 =	vld [tilespmem:$0x16AE0];
	[tilespmem:$0x13650] =	vst v0  }
0x47: {  	v0 =	vld [tilespmem:s25+$0xFFFFFF20];
	_ =	sdelay $0x1  }
0x48: {  	v56 =	vld [tilespmem:$0x16C20];
	_ =	sdelay $0x2  }
0x49: {  	v0 =	vmul.f32 v55, v0;
	_ =	sdelay $0x1  }
0x4a: {  	v0 =	vadd.f32 v56, v0;
	_ =	sdelay $0x1  }
0x4b: {  	v57 =	vld [tilespmem:$0x16AF0];
	[tilespmem:$0x13660] =	vst v0  }
0x4c: {  	v0 =	vld [tilespmem:s25+$0xFFFFFF30];
	_ =	sdelay $0x1  }
0x4d: {  	v58 =	vld [tilespmem:$0x16C30];
	_ =	sdelay $0x2  }
0x4e: {  	v0 =	vmul.f32 v57, v0;
	_ =	sdelay $0x1  }
0x4f: {  	v0 =	vadd.f32 v58, v0;
	_ =	sdelay $0x1  }
0x50: {  	v59 =	vld [tilespmem:$0x16B00];
	[tilespmem:$0x13670] =	vst v0  }
0x51: {  	v0 =	vld [tilespmem:s25+$0xFFFFFF40];
	_ =	sdelay $0x1  }
0x52: {  	v60 =	vld [tilespmem:$0x16C40];
	_ =	sdelay $0x2  }
0x53: {  	v0 =	vmul.f32 v59, v0;
	_ =	sdelay $0x1  }
0x54: {  	v0 =	vadd.f32 v60, v0;
	_ =	sdelay $0x1  }
0x55: {  	v61 =	vld [tilespmem:$0x16B10];
	[tilespmem:$0x13680] =	vst v0  }
0x56: {  	v0 =	vld [tilespmem:s25+$0xFFFFFF50];
	_ =	sdelay $0x1  }
0x57: {  	v62 =	vld [tilespmem:$0x16C50];
	_ =	sdelay $0x2  }
0x58: {  	v0 =	vmul.f32 v61, v0;
	_ =	sdelay $0x1  }
0x59: {  	v0 =	vadd.f32 v62, v0;
	_ =	sdelay $0x1  }
0x5a: {  	v63 =	vld [tilespmem:$0x16B20];
	[tilespmem:$0x13690] =	vst v0  }
0x5b: {  	v0 =	vld [tilespmem:s25+$0xFFFFFF60];
	_ =	sdelay $0x1  }
0x5c: {  	v4 =	vld [tilespmem:$0x16C60];
	_ =	sdelay $0x2  }
0x5d: {  	v0 =	vmul.f32 v63, v0;
	_ =	sdelay $0x1  }
0x5e: {  	v0 =	vadd.f32 v4, v0;
	_ =	sdelay $0x1  }
0x5f: {  	v5 =	vld [tilespmem:$0x16B30];
	[tilespmem:$0x136A0] =	vst v0  }
0x60: {  	v0 =	vld [tilespmem:s25+$0xFFFFFF70];
	_ =	sdelay $0x1  }
0x61: {  	v6 =	vld [tilespmem:$0x16C70];
	_ =	sdelay $0x2  }
0x62: {  	v0 =	vmul.f32 v5, v0;
	_ =	sdelay $0x1  }
0x63: {  	v0 =	vadd.f32 v6, v0;
	_ =	sdelay $0x1  }
0x64: {  	v7 =	vld [tilespmem:$0x16B40];
	[tilespmem:$0x136B0] =	vst v0  }
0x65: {  	v0 =	vld [tilespmem:s25+$0xFFFFFF80];
	_ =	sdelay $0x1  }
0x66: {  	v8 =	vld [tilespmem:$0x16C80];
	_ =	sdelay $0x2  }
0x67: {  	v0 =	vmul.f32 v7, v0;
	_ =	sdelay $0x1  }
0x68: {  	v0 =	vadd.f32 v8, v0;
	_ =	sdelay $0x1  }
0x69: {  	v9 =	vld [tilespmem:$0x16B50];
	[tilespmem:$0x136C0] =	vst v0  }
0x6a: {  	v0 =	vld [tilespmem:s25+$0xFFFFFF90];
	_ =	sdelay $0x1  }
0x6b: {  	v10 =	vld [tilespmem:$0x16C90];
	_ =	sdelay $0x2  }
0x6c: {  	v0 =	vmul.f32 v9, v0;
	_ =	sdelay $0x1  }
0x6d: {  	v0 =	vadd.f32 v10, v0;
	_ =	sdelay $0x1  }
0x6e: {  	v11 =	vld [tilespmem:$0x16B60];
	[tilespmem:$0x136D0] =	vst v0  }
0x6f: {  	v0 =	vld [tilespmem:s25+$0xFFFFFFA0];
	_ =	sdelay $0x1  }
0x70: {  	v12 =	vld [tilespmem:$0x16CA0];
	_ =	sdelay $0x2  }
0x71: {  	v0 =	vmul.f32 v11, v0;
	_ =	sdelay $0x1  }
0x72: {  	v0 =	vadd.f32 v12, v0;
	_ =	sdelay $0x1  }
0x73: {  	v13 =	vld [tilespmem:$0x16B70];
	[tilespmem:$0x136E0] =	vst v0  }
0x74: {  	v0 =	vld [tilespmem:s25+$0xFFFFFFB0];
	_ =	sdelay $0x1  }
0x75: {  	v14 =	vld [tilespmem:$0x16CB0];
	_ =	sdelay $0x2  }
0x76: {  	v0 =	vmul.f32 v13, v0;
	_ =	sdelay $0x1  }
0x77: {  	v0 =	vadd.f32 v14, v0;
	_ =	sdelay $0x1  }
0x78: {  	v15 =	vld [tilespmem:$0x16B80];
	[tilespmem:$0x136F0] =	vst v0  }
0x79: {  	v0 =	vld [tilespmem:s25+$0xFFFFFFC0];
	_ =	sdelay $0x1  }
0x7a: {  	v16 =	vld [tilespmem:$0x16CC0];
	_ =	sdelay $0x2  }
0x7b: {  	v0 =	vmul.f32 v15, v0;
	_ =	sdelay $0x1  }
0x7c: {  	v0 =	vadd.f32 v16, v0;
	_ =	sdelay $0x1  }
0x7d: {  	v17 =	vld [tilespmem:$0x16B90];
	[tilespmem:$0x13700] =	vst v0  }
0x7e: {  	v0 =	vld [tilespmem:s25+$0xFFFFFFD0];
	_ =	sdelay $0x1  }
0x7f: {  	v18 =	vld [tilespmem:$0x16CD0];
	_ =	sdelay $0x2  }
0x80: {  	v0 =	vmul.f32 v17, v0;
	_ =	sdelay $0x1  }
0x81: {  	v0 =	vadd.f32 v18, v0;
	_ =	sdelay $0x1  }
0x82: {  	v19 =	vld [tilespmem:$0x16BA0];
	[tilespmem:$0x13710] =	vst v0  }
0x83: {  	v0 =	vld [tilespmem:s25+$0xFFFFFFE0];
	_ =	sdelay $0x1  }
0x84: {  	v20 =	vld [tilespmem:$0x16CE0];
	_ =	sdelay $0x2  }
0x85: {  	v0 =	vmul.f32 v19, v0;
	_ =	sdelay $0x1  }
0x86: {  	v0 =	vadd.f32 v20, v0;
	_ =	sdelay $0x1  }
0x87: {  	v21 =	vld [tilespmem:$0x16BB0];
	[tilespmem:$0x13720] =	vst v0  }
0x88: {  	v0 =	vld [tilespmem:s25+$0xFFFFFFF0];
	_ =	sdelay $0x1  }
0x89: {  	v22 =	vld [tilespmem:$0x16CF0];
	_ =	sdelay $0x2  }
0x8a: {  	v0 =	vmul.f32 v21, v0;
	_ =	sdelay $0x1  }
0x8b: {  	v0 =	vadd.f32 v22, v0;
	_ =	sdelay $0x1  }
0x8c: {  	[tilespmem:$0x13730] =	vst v0  }
0x8d: {  	_ =	swait.ge [sflag:s20], $0x2000  }
0x8e: {  	[sflag:s20] =	ssyncset.done $0x0  }
0x8f: {  	[sflag:s20] =	ssyncadd.s32 $0xFFFFE000  }
0x90: {  	_ =	swait.ge [sflag:s20], $0x1200  }
0x91: {  	[sflag:s20] =	ssyncset.done $0x0  }
0x92: {  	[sflag:s20] =	ssyncadd.s32 $0xFFFFEE00  }
0x93: {  	[hbm4b:s26+s2] =	stream.linear.scatter [tilespmem:s21], [sflag:$0x3], $0x3200, $0x38;
	[tilespmem:$0x16D00] =	vst v63  }
0x94: {  	p0 =	seq.s32 s28, $0x189C0;
	_ =	swait.ge [sflag:s11], $0x3200  }
0x95: {  	s31 =	simm.s32 @!p0 $0x80;
	s29 =	sshra.s32 @!p0 s28, $0x2;
	[sflag:s11] =	ssyncset.done $0x0  }
0x96: {  	s1 =	simm.s32 @!p0 $0x10400;
	s30 =	sadd.s32 @!p0 $0x190, s29;
	[sflag:s11] =	ssyncadd.s32 $0xFFFFCE00  }
0x97: {  	[tilespmem:s1], [sflag:$0x1] =	stream.indirect.gather @!p0 [hbm4b:s3+s31], $0x40, s30, s31, $0xb8;
	[tilespmem:$0x16D00] =	vst v63  }
0x98: {  	s1 =	sadd.s32 @!p0 $0x210, s29;
	s29 =	simm.s32 @!p0 $0x48;
	s30 =	simm.s32 @!p0 $0x12400  }
0x99: {  	[tilespmem:s30], [sflag:$0x1] =	stream.indirect.gather @!p0 [hbm4b:s3+s29], $0x40, s1, s29, $0xb8;
	[tilespmem:$0x16D00] =	vst v63  }
0x9a: {  	v23 =	vld [tilespmem:s25+$0x0]  }
0x9b: {  	v24 =	vld [tilespmem:$0x16A80];
	_ =	sdelay $0x1  }
0x9c: {  	v25 =	vld [tilespmem:$0x16BC0];
	_ =	sdelay $0x2  }
0x9d: {  	v0 =	vmul.f32 v24, v23;
	_ =	sdelay $0x1  }
0x9e: {  	v0 =	vadd.f32 v25, v0;
	_ =	sdelay $0x1  }
0x9f: {  	v26 =	vld [tilespmem:$0x16A90];
	[tilespmem:$0x16940] =	vst v0  }
0xa0: {  	v0 =	vld [tilespmem:s25+$0x10];
	_ =	sdelay $0x1  }
0xa1: {  	v27 =	vld [tilespmem:$0x16BD0];
	_ =	sdelay $0x2  }
0xa2: {  	v0 =	vmul.f32 v26, v0;
	_ =	sdelay $0x1  }
0xa3: {  	v0 =	vadd.f32 v27, v0;
	_ =	sdelay $0x1  }
0xa4: {  	v28 =	vld [tilespmem:$0x16AA0];
	[tilespmem:$0x16950] =	vst v0  }
0xa5: {  	v0 =	vld [tilespmem:s25+$0x20];
	_ =	sdelay $0x1  }
0xa6: {  	v29 =	vld [tilespmem:$0x16BE0];
	_ =	sdelay $0x2  }
0xa7: {  	v0 =	vmul.f32 v28, v0;
	_ =	sdelay $0x1  }
0xa8: {  	v0 =	vadd.f32 v29, v0;
	_ =	sdelay $0x1  }
0xa9: {  	v30 =	vld [tilespmem:$0x16AB0];
	[tilespmem:$0x16960] =	vst v0  }
0xaa: {  	v0 =	vld [tilespmem:s25+$0x30];
	_ =	sdelay $0x1  }
0xab: {  	v31 =	vld [tilespmem:$0x16BF0];
	_ =	sdelay $0x2  }
0xac: {  	v0 =	vmul.f32 v30, v0;
	_ =	sdelay $0x1  }
0xad: {  	v0 =	vadd.f32 v31, v0;
	_ =	sdelay $0x1  }
0xae: {  	v32 =	vld [tilespmem:$0x16AC0];
	[tilespmem:$0x16970] =	vst v0  }
0xaf: {  	v0 =	vld [tilespmem:s25+$0x40];
	_ =	sdelay $0x1  }
0xb0: {  	v33 =	vld [tilespmem:$0x16C00];
	_ =	sdelay $0x2  }
0xb1: {  	v0 =	vmul.f32 v32, v0;
	_ =	sdelay $0x1  }
0xb2: {  	v0 =	vadd.f32 v33, v0;
	_ =	sdelay $0x1  }
0xb3: {  	v34 =	vld [tilespmem:$0x16AD0];
	[tilespmem:$0x16980] =	vst v0  }
0xb4: {  	v0 =	vld [tilespmem:s25+$0x50];
	_ =	sdelay $0x1  }
0xb5: {  	v35 =	vld [tilespmem:$0x16C10];
	_ =	sdelay $0x2  }
0xb6: {  	v0 =	vmul.f32 v34, v0;
	_ =	sdelay $0x1  }
0xb7: {  	v0 =	vadd.f32 v35, v0;
	_ =	sdelay $0x1  }
0xb8: {  	v36 =	vld [tilespmem:$0x16AE0];
	[tilespmem:$0x16990] =	vst v0  }
0xb9: {  	v0 =	vld [tilespmem:s25+$0x60];
	_ =	sdelay $0x1  }
0xba: {  	v37 =	vld [tilespmem:$0x16C20];
	_ =	sdelay $0x2  }
0xbb: {  	v0 =	vmul.f32 v36, v0;
	_ =	sdelay $0x1  }
0xbc: {  	v0 =	vadd.f32 v37, v0;
	_ =	sdelay $0x1  }
0xbd: {  	v38 =	vld [tilespmem:$0x16AF0];
	[tilespmem:$0x169A0] =	vst v0  }
0xbe: {  	v0 =	vld [tilespmem:s25+$0x70];
	_ =	sdelay $0x1  }
0xbf: {  	v39 =	vld [tilespmem:$0x16C30];
	_ =	sdelay $0x2  }
0xc0: {  	v0 =	vmul.f32 v38, v0;
	_ =	sdelay $0x1  }
0xc1: {  	v0 =	vadd.f32 v39, v0;
	_ =	sdelay $0x1  }
0xc2: {  	v40 =	vld [tilespmem:$0x16B00];
	[tilespmem:$0x169B0] =	vst v0  }
0xc3: {  	v0 =	vld [tilespmem:s25+$0x80];
	_ =	sdelay $0x1  }
0xc4: {  	v41 =	vld [tilespmem:$0x16C40];
	_ =	sdelay $0x2  }
0xc5: {  	v0 =	vmul.f32 v40, v0;
	_ =	sdelay $0x1  }
0xc6: {  	v0 =	vadd.f32 v41, v0;
	_ =	sdelay $0x1  }
0xc7: {  	v42 =	vld [tilespmem:$0x16B10];
	[tilespmem:$0x169C0] =	vst v0  }
0xc8: {  	v0 =	vld [tilespmem:s25+$0x90];
	_ =	sdelay $0x1  }
0xc9: {  	v43 =	vld [tilespmem:$0x16C50];
	_ =	sdelay $0x2  }
0xca: {  	v0 =	vmul.f32 v42, v0;
	_ =	sdelay $0x1  }
0xcb: {  	v0 =	vadd.f32 v43, v0;
	_ =	sdelay $0x1  }
0xcc: {  	v44 =	vld [tilespmem:$0x16B20];
	[tilespmem:$0x169D0] =	vst v0  }
0xcd: {  	v0 =	vld [tilespmem:s25+$0xA0];
	_ =	sdelay $0x1  }
0xce: {  	v45 =	vld [tilespmem:$0x16C60];
	_ =	sdelay $0x2  }
0xcf: {  	v0 =	vmul.f32 v44, v0;
	_ =	sdelay $0x1  }
0xd0: {  	v0 =	vadd.f32 v45, v0;
	_ =	sdelay $0x1  }
0xd1: {  	v46 =	vld [tilespmem:$0x16B30];
	[tilespmem:$0x169E0] =	vst v0  }
0xd2: {  	v0 =	vld [tilespmem:s25+$0xB0];
	_ =	sdelay $0x1  }
0xd3: {  	v47 =	vld [tilespmem:$0x16C70];
	_ =	sdelay $0x2  }
0xd4: {  	v0 =	vmul.f32 v46, v0;
	_ =	sdelay $0x1  }
0xd5: {  	v0 =	vadd.f32 v47, v0;
	_ =	sdelay $0x1  }
0xd6: {  	v48 =	vld [tilespmem:$0x16B40];
	[tilespmem:$0x169F0] =	vst v0  }
0xd7: {  	v0 =	vld [tilespmem:s25+$0xC0];
	_ =	sdelay $0x1  }
0xd8: {  	v49 =	vld [tilespmem:$0x16C80];
	_ =	sdelay $0x2  }
0xd9: {  	v0 =	vmul.f32 v48, v0;
	_ =	sdelay $0x1  }
0xda: {  	v0 =	vadd.f32 v49, v0;
	_ =	sdelay $0x1  }
0xdb: {  	v50 =	vld [tilespmem:$0x16B50];
	[tilespmem:$0x16A00] =	vst v0  }
0xdc: {  	v0 =	vld [tilespmem:s25+$0xD0];
	_ =	sdelay $0x1  }
0xdd: {  	v51 =	vld [tilespmem:$0x16C90];
	_ =	sdelay $0x2  }
0xde: {  	v0 =	vmul.f32 v50, v0;
	_ =	sdelay $0x1  }
0xdf: {  	v0 =	vadd.f32 v51, v0;
	_ =	sdelay $0x1  }
0xe0: {  	v52 =	vld [tilespmem:$0x16B60];
	[tilespmem:$0x16A10] =	vst v0  }
0xe1: {  	v0 =	vld [tilespmem:s25+$0xE0];
	_ =	sdelay $0x1  }
0xe2: {  	v53 =	vld [tilespmem:$0x16CA0];
	_ =	sdelay $0x2  }
0xe3: {  	v0 =	vmul.f32 v52, v0;
	_ =	sdelay $0x1  }
0xe4: {  	v0 =	vadd.f32 v53, v0;
	_ =	sdelay $0x1  }
0xe5: {  	v54 =	vld [tilespmem:$0x16B70];
	[tilespmem:$0x16A20] =	vst v0  }
0xe6: {  	v0 =	vld [tilespmem:s25+$0xF0];
	_ =	sdelay $0x1  }
0xe7: {  	v55 =	vld [tilespmem:$0x16CB0];
	_ =	sdelay $0x2  }
0xe8: {  	v0 =	vmul.f32 v54, v0;
	_ =	sdelay $0x1  }
0xe9: {  	v0 =	vadd.f32 v55, v0;
	_ =	sdelay $0x1  }
0xea: {  	v56 =	vld [tilespmem:$0x16B80];
	[tilespmem:$0x16A30] =	vst v0  }
0xeb: {  	v0 =	vld [tilespmem:s25+$0x100];
	_ =	sdelay $0x1  }
0xec: {  	v57 =	vld [tilespmem:$0x16CC0];
	_ =	sdelay $0x2  }
0xed: {  	v0 =	vmul.f32 v56, v0;
	_ =	sdelay $0x1  }
0xee: {  	v0 =	vadd.f32 v57, v0;
	_ =	sdelay $0x1  }
0xef: {  	v58 =	vld [tilespmem:$0x16B90];
	[tilespmem:$0x16A40] =	vst v0  }
0xf0: {  	v0 =	vld [tilespmem:s25+$0x110];
	_ =	sdelay $0x1  }
0xf1: {  	v59 =	vld [tilespmem:$0x16CD0];
	_ =	sdelay $0x2  }
0xf2: {  	v0 =	vmul.f32 v58, v0;
	_ =	sdelay $0x1  }
0xf3: {  	v0 =	vadd.f32 v59, v0;
	_ =	sdelay $0x1  }
0xf4: {  	v60 =	vld [tilespmem:$0x16BA0];
	[tilespmem:$0x16A50] =	vst v0  }
0xf5: {  	v0 =	vld [tilespmem:s25+$0x120];
	_ =	sdelay $0x1  }
0xf6: {  	v61 =	vld [tilespmem:$0x16CE0];
	_ =	sdelay $0x2  }
0xf7: {  	v0 =	vmul.f32 v60, v0;
	_ =	sdelay $0x1  }
0xf8: {  	v0 =	vadd.f32 v61, v0;
	_ =	sdelay $0x1  }
0xf9: {  	v62 =	vld [tilespmem:$0x16BB0];
	[tilespmem:$0x16A60] =	vst v0  }
0xfa: {  	v0 =	vld [tilespmem:s25+$0x130];
	_ =	sdelay $0x1  }
0xfb: {  	v63 =	vld [tilespmem:$0x16CF0];
	_ =	sdelay $0x2  }
0xfc: {  	v0 =	vmul.f32 v62, v0;
	_ =	sdelay $0x1  }
0xfd: {  	v0 =	vadd.f32 v63, v0;
	_ =	sdelay $0x1  }
0xfe: {  	[tilespmem:$0x16A70] =	vst v0  }
0xff: {  	_ =	swait.ge [sflag:s22], $0x2000  }
0x100: {  	[sflag:s22] =	ssyncset.done $0x0  }
0x101: {  	[sflag:s22] =	ssyncadd.s32 $0xFFFFE000  }
0x102: {  	s28 =	sadd.s32 $0x640, s28;
	_ =	swait.ge [sflag:s22], $0x1200  }
0x103: {  	p0 =	sne.s32 s28, $0x19000;
	[sflag:s22] =	ssyncset.done $0x0  }
.Ltmp0:
0x104: {  	s31 =	sadd.s32 $0x640, s26;
	[sflag:s22] =	ssyncadd.s32 $0xFFFFEE00;
	(pc) =	sbr.rel @p0 .LBB2_2-.Ltmp0, $4  }
0x105: {  	[hbm4b:s31+s2] =	stream.linear.scatter [tilespmem:s23], [sflag:$0x3], $0x3200, $0x38;
	[tilespmem:$0x16D00] =	vst v63  }
0x106: {  	_ =	swait.ge [sflag:s11], $0x3200  }
0x107: {  	[sflag:s11] =	ssyncset.done $0x0  }
0x108: {  	s26 =	sadd.s32 $0xC80, s26;
	s25 =	sadd.s32 $0x280, s25;
	[sflag:s11] =	ssyncadd.s32 $0xFFFFCE00  }
0x109: {  	s24 =	sadd.s32 $0x1, s24  }
0x10a: {  	p0 =	sne.s32 s24, s8  }
.Ltmp1:
0x10b: {  	_ = 	snop;
	(pc) =	sbr.rel @p0 .LBB2_1-.Ltmp1, $1  }
0x10c: {  	_ =	sdelay $0x3  }
0x10d: {  	_ =	sfence.sel $0x180000  }
0x10e: {  	[bflag:$0x0] =	sbarrier.arrive $0xFFFF  }
0x10f: {  	_ =	strace $0x90000047  }
0x110: {  	[bflag:$0x2] =	sbarrier.arrive $0xFFFF  }
0x111: {  	p0 =	sne.s32 s0, $0x0;
	s0 =	rddreg [dreg:$0x2]  }
0x112: {  	s0 =	sadd.s32 @!p0 $0x100000, s0  }
0x113: {  	[sflag:s0] =	ssyncadd.tile.s32 @!p0 $0x1;
	_ =	shalt  }
.Lfunc_end2:
_tile_overlayer_lowered:
.L_overlay_start_2:
0x114: {  	(tag) =	ssettag $0x2  }
0x115: {  	s0 =	rddreg [dreg:$0x0];
	s2 =	stileid.u32  }
0x116: {  	s1 =	rddreg [dreg:$0x1];
	p0 =	sne.s32 s2, $0x0  }
0x117: {  	s3 =	rddreg [dreg:$0x2];
	[bflag:$0x3] =	sbarrier.arrive $0xFFFF;
	s2 =	simm.s32 @!p0 $0x1C03  }
0x118: {  	[timem:s3], [sflag:s2] =	dma.local @!p0 [hbm:s0], s1  }
0x119: {  	s0 =	simm.s32 @!p0 $0x3  }
0x11a: {  	_ =	swait.ge @!p0 [sflag:s0], s1  }
0x11b: {  	s1 =	ssub.s32 @!p0 $0x0, s1;
	[sflag:s0] =	ssyncset.done @!p0 $0x0  }
0x11c: {  	[sflag:s0] =	ssyncadd.s32 @!p0 s1  }
0x11d: {  	[bflag:$0x3] =	sbarrier.arrive $0xFFFF  }
0x11e: {  	_ =	shalt  }

// kernel: sparse-core-data-format-call.cloned.1.call-start
scs
called_computation_lowered:
.L_overlay_start_0:
0x0: {  	s2 =	sld [smem:$0x3FD9]  }
0x1: {  	s3 =	sld [smem:$0x3FFE];
	_ =	sdelay $0x1  }
0x2: {  	s1 =	srdreg.scid  }
0x3: {  	s0 =	sand.u32 $0x1, s1  }
0x4: {  	s18 =	sshll.u32 s0, $0xA;
	s2 =	sadd.s32 s3, s2  }
0x5: {  	s2 =	sadd.s32 s2, s18  }
0x6: {  	[smem:$0x3FC4] =	sst s2  }
0x7: {  	_ = 	snop  }
0x8: {  	s2 =	sld [smem:$0x3FD0];
	(tm) =	ssettm $0x1  }
0x9: {  	s19 =	sld [smem:$0x3FFB];
	_ =	sdelay $0x3  }
0xa: {  	_ =	strace s19  }
0xb: {  	s3 =	sld [smem:$0x3FFC];
	_ =	sdelay $0x3  }
0xc: {  	_ =	strace s3  }
0xd: {  	s3 =	sld [smem:$0x3FFD];
	_ =	sdelay $0x3  }
0xe: {  	_ =	strace s3  }
0xf: {  	_ =	strace $0x8FFFFFFF  }
0x10: {  	s20 =	sld [smem:$0x3FDB];
	_ =	sdelay $0x1  }
0x11: {  	s4 =	simm.s32 $_scs_section_size  }
0x12: {  	s5 =	simm.s32 $_size__tile_overlayer_lowered;
	s6 =	simm.s32 $_tile_overlayer_lowered  }
0x13: {  	s23 =	simm.s32 $0x1BFF;
	s22 =	sshll.u32 s6, $0x1;
	s3 =	sadd.s32 s4, s20  }
0x14: {  	s7 =	simm.s32 $0x0;
	s21 =	sshll.u32 s5, $0x1;
	s5 =	sadd.s32 s22, s3  }
0x15: {  	[timem:s7], [sflag:s23] =	dma.local [hbm:s5], s21  }
0x16: {  	_ =	swait.ge [sflag:s23], s21  }
0x17: {  	s4 =	ssub.s32 $0x0, s21;
	[sflag:s23] =	ssyncset.done $0x0  }
0x18: {  	[sflag:s23] =	ssyncadd.s32 s4;
	_ =	sdelay $0x1  }
0x19: {  	s24 =	simm.s32 $0x1B8B  }
0x1a: {  	_ =	swait.ge [sflag:s24], $0x1  }
0x1b: {  	[sflag:s24] =	ssyncset.done $0x0  }
0x1c: {  	s26 =	simm.s32 $0x1B8E;
	s25 =	sld [smem:$0x3FFE];
	[sflag:s24] =	ssyncadd.s32 $0xFFFFFFFF  }
0x1d: {  	s27 =	simm.s32 $execute0_lowered;
	[smem:$0x3FD2] =	sst s26  }
0x1e: {  	s5 =	sshll.u32 s27, $0x1;
	_ =	strace $0x80000049;
	[dreg:$0x1] =	wrdreg $0xFFFFFFFF  }
0x1f: {  	s28 =	simm.s32 $_size_execute0_lowered;
	s3 =	sadd.s32 s3, s5;
	[dreg:$0x0] =	wrdreg $0x0  }
0x20: {  	s5 =	sshll.u32 s28, $0x1;
	[dreg:$0x2] =	wrdreg s3  }
0x21: {  	[dreg:$0x3] =	wrdreg s5  }
0x22: {  	[dreg:$0x4] =	wrdreg $0xC0  }
0x23: {  	_ =	task [dreg:s7], $0x5FFFF  }
0x24: {  	[dreg:$0x1] =	wrdreg $0xFFFFFFFF  }
0x25: {  	[dreg:$0x0] =	wrdreg $0x60  }
0x26: {  	[dreg:$0x2] =	wrdreg s25  }
0x27: {  	[dreg:$0x3] =	wrdreg s2  }
0x28: {  	[dreg:$0x4] =	wrdreg $0x9  }
0x29: {  	_ =	task.clear_ibuf [dreg:s7], $0x5FFFF;
	_ =	strace $0x90000049  }
0x2a: {  	s29 =	simm.s32 $0x9;
	_ =	strace $0x8000004B  }
0x2b: {  	_ =	swait.ge [sflag:s29], $0x1  }
0x2c: {  	[sflag:s29] =	ssyncadd.s32 $0xFFFFFFFF  }
0x2d: {  	_ =	strace $0x9000004B  }
0x2e: {  	_ =	sfence  }
0x2f: {  	s30 =	sld [smem:$0x0];
	_ =	sdelay $0x2  }
0x30: {  	s31 =	sshll.u32 s1, $0xD;
	s1 =	sshrl.u32 s1, $0x2  }
0x31: {  	s3 =	sand.u32 $0x4000, s31;
	s1 =	sadd.s32 s1, s30  }
0x32: {  	s0 =	sor.u32 s3, s0;
	s1 =	sshll.u32 s1, $0x11  }
0x33: {  	s0 =	sor.u32 s1, s0  }
0x34: {  	s0 =	sadd.s32 $0x8F2B, s0  }
0x35: {  	[sflag:s0] =	ssyncadd.remote.s32 $0x1  }
0x36: {  	_ =	sfence.sel $0xFFFF  }
0x37: {  	[dreg:$0x0] =	wrdreg $0xFFFFFFFF;
	(pc) =	sbr.abs _section_cstart, $3  }
0x38: {  	[dreg:$0x1] =	wrdreg $0xFFFFFFFF  }
0x39: {  	_ =	task.clear_ibuf [dreg:s7], $0x2FFFF;
	_ =	strace $0x9FFFFFFF  }
0x3a: {  	(tm) =	ssettm $0x7FFFFFFF  }
0x3b: {  	_ =	shalt  }
tec
execute0_lowered:
.L_overlay_start_1:
0x0: {  	(tag) =	ssettag $0x1  }
0x1: {  	s0 =	srdreg.scid  }
0x2: {  	s1 =	sshll.u32 s0, $0x4  }
0x3: {  	s0 =	stileid.u32;
	s1 =	sand.u32 $0x10, s1  }
0x4: {  	s1 =	sor.u32 s0, s1  }
0x5: {  	s6 =	rddreg [dreg:$0x0];
	s4 =	simm.s32 $0x1;
	s2 =	sshll.u32 s1, $0x7  }
0x6: {  	s7 =	simm.s32 $0x2;
	s12 =	simm.s32 $0x0;
	s1 =	ssub.s32 $0x1000, s2  }
0x7: {  	s8 =	simm.s32 $0x8000;
	s13 =	simm.s32 $0x0;
	s3 =	sand.u32 $0xF80, s1  }
0x8: {  	s9 =	simm.s32 $0x0;
	s5 =	sshrl.u32 s1, $0xC;
	p0 =	sne.s32 s3, $0x0  }
.Ltmp0:
0x9: {  	s1 =	rddreg [dreg:$0x2];
	s4 =	simm.s32 @!p0 $0x0;
	(pc) =	sbr.rel .LBB1_1-.Ltmp0, $4  }
0xa: {  	s11 =	simm.s32 $0x0;
	s3 =	rddreg [dreg:$0x1];
	s5 =	sadd.s32 s4, s5  }
0xb: {  	_ =	strace $0x8000004A;
	s4 =	simm.s32 $0x1;
	s5 =	smul.u32 $0xC8, s5  }
0xc: {  	s6 =	sadd.s32 $0xC00, s6;
	s10 =	smov.u32 s2;
	[sflag:s4] =	ssyncpa.u1 $0x0  }
0xd: {  	p0 =	por $0x0, $0x0;
	[sflag:s7] =	ssyncpa.u1 $0x0;
	s7 =	sor.u32 $0x1, s5  }
.LBB1_4:
0xe: {  	s16 =	sshll.u32 s13, $0x3;
	s17 =	sand.u32 $0x78, s13  }
0xf: {  	s30 =	sand.u32 $0x7E00, s13;
	s12 =	sshll.u32 s12, $0xF;
	s16 =	sand.u32 $0xC00, s16  }
0x10: {  	[tilespmem:s15+$0x810 ss:$0x81] =	vst.msk $0xffff, v2;
	s31 =	sand.u32 $0x7, s13;
	s16 =	sor.u32 s17, s16;
	s17 =	sadd.s32 s3, s30  }
0x11: {  	[tilespmem:s15+$0x1020 ss:$0x81] =	vst.msk $0xffff, v0;
	s13 =	sshll.u32 s31, $0x12;
	s12 =	sadd.s32 s12, s17;
	s16 =	sshrl.u32 s16, $0x3  }
0x12: {  	[tilespmem:s15+$0x0 ss:$0x81] =	vst.msk $0xffff, v1;
	s13 =	sor.u32 $0x400, s13;
	s12 =	sadd.s32 s16, s12  }
0x13: {  	[hbm4b:s12+s13] =	stream.strided.scatter [tilespmem:s14], [sflag:$0x2], $0x2000, s8, s13, $0x20;
	[tilespmem:$0x8080] =	vst v63  }
.LBB1_5:
0x14: {  	s14 =	sadd.s32 $0x1, s9  }
0x15: {  	s12 =	sadd.s32 $0x1000, s10;
	s16 =	smov.u32 s10;
	p2 =	sgt.s32 s14, $0xC7  }
0x16: {  	s16 =	smov.u32 @p2 s12  }
0x17: {  	s14 =	simm.s32 @p2 $0x0;
	p2 =	sgt.s32 s16, $0xFFF  }
0x18: {  	s16 =	smov.u32 @p2 s2;
	p2 =	sne.s32 s11, s7  }
.Ltmp1:
0x19: {  	p1 =	slt.u32 s11, $0x2;
	(pc) =	sbr.rel @!p2 .LBB1_6-.Ltmp1, $4  }
0x1a: {  	s15 =	simm.s32 @!p1 $0x2  }
0x1b: {  	s13 =	smov.u32 s10;
	p0 =	por !p0, !p0;
	_ =	swait.ge @!p1 [sflag:s15], $0x2000  }
0x1c: {  	s12 =	smov.u32 s9;
	[sflag:s15] =	ssyncset.done @!p1 $0x0;
	s9 =	smov.u32 s14  }
0x1d: {  	s11 =	sadd.s32 $0x1, s11;
	[sflag:s15] =	ssyncadd.s32 @!p1 $0xFFFFE000;
	s10 =	smov.u32 s16  }
.LBB1_1:
0x1e: {  	p1 =	sge.u32 s11, s5  }
0x1f: {  	s14 =	sand.u32 @!p1 $0x1FFFFFF, s9  }
0x20: {  	s15 =	smulhi.u32 @!p1 $0x147AE15, s14;
	_ =	sdelay $0x1  }
0x21: {  	s15 =	smul.u32 @!p1 $0xC8, s15  }
0x22: {  	s16 =	sxor.u32 @!p1 $0xFFFFFFFF, s11;
	s17 =	smul.u32 @!p1 $0xC80, s10  }
0x23: {  	s31 =	sadd.s32 $0xFFFFFFFF, s11;
	s16 =	sshll.u32 @!p1 s16, $0xD;
	s14 =	ssub.s32 @!p1 s14, s15  }
0x24: {  	s15 =	sand.u32 @!p1 $0x2000, s16;
	s16 =	sadd.s32 @!p1 s6, s17;
	s14 =	sshll.u32 @!p1 s14, $0x4  }
0x25: {  	s17 =	simm.s32 @!p1 $0x6400;
	s14 =	sadd.s32 @!p1 s14, s16;
	s16 =	simm.s32 @!p1 $0x40  }
0x26: {  	[tilespmem:s15], [sflag:$0x1] =	stream.strided.gather @!p1 [hbm4b:s14+s16], $0x2000, s17, s16, $0x38;
	[tilespmem:$0x8080] =	vst v63  }
0x27: {  	p1 =	sge.u32 s31, s5  }
.Ltmp2:
0x28: {  	_ = 	snop;
	(pc) =	sbr.rel @p1 .LBB1_5-.Ltmp2, $1  }
0x29: {  	_ =	sdelay $0x3  }
0x2a: {  	s14 =	simm.s32 $0x1  }
0x2b: {  	_ =	swait.ge [sflag:s4], $0x2000;
	s14 =	simm.s32 @!p0 $0x0  }
0x2c: {  	[sflag:s4] =	ssyncset.done $0x0;
	s15 =	sshll.u32 s14, $0xD  }
0x2d: {  	[sflag:s4] =	ssyncadd.s32 $0xFFFFE000;
	s18 =	sor.u32 $0x20, s15  }
0x2e: {  	s14 =	smul.u32 $0x8100, s14;
	v3 =	vld [tilespmem:s18+$0x10]  }
0x2f: {  	s30 =	sand.u32 $0x1, s11;
	v2 =	vld [tilespmem:s18+$0xFFFFFFF0]  }
0x30: {  	s15 =	smul.u32 $0x8100, s30;
	s14 =	sshrl.u32 s14, $0x2;
	v0 =	vld [tilespmem:s18+$0x0]  }
0x31: {  	v1 =	vld [tilespmem:s18+$0xFFFFFFE0];
	s16 =	sor.u32 $0x4000, s14  }
0x32: {  	s31 =	sshrl.u32 s15, $0x2;
	s15 =	sadd.s32 $0x0, s16  }
0x33: {  	s17 =	simm.s32 $0x4;
	s18 =	sadd.s32 $0x40, s18;
	s14 =	sor.u32 $0x4000, s31;
	[tilespmem:s15+$0x1830 ss:$0x81] =	vst.msk $0xffff, v3  }
.LBB1_3:
0x34: {  	v3 =	vld [tilespmem:s18+$0x10];
	p1 =	sne.s32 s17, $0x1FC;
	[tilespmem:s15+$0x810 ss:$0x81] =	vst.msk $0xffff, v2;
	s19 =	smov.u32 s17;
	s17 =	sadd.s32 $0x4, s17  }
.Ltmp3:
0x35: {  	v2 =	vld [tilespmem:s18+$0xFFFFFFF0];
	[tilespmem:s15+$0x1020 ss:$0x81] =	vst.msk $0xffff, v0;
	(pc) =	sbr.rel @p1 .LBB1_3-.Ltmp3, $4  }
0x36: {  	v0 =	vld [tilespmem:s18+$0x0];
	[tilespmem:s15+$0x0 ss:$0x81] =	vst.msk $0xffff, v1  }
0x37: {  	s15 =	sshra.s32 s19, $0x2;
	v1 =	vld [tilespmem:s18+$0xFFFFFFE0]  }
0x38: {  	s15 =	sadd.s32 s15, s16  }
0x39: {  	s18 =	sadd.s32 $0x40, s18;
	[tilespmem:s15+$0x1830 ss:$0x81] =	vst.msk $0xffff, v3  }
.Ltmp4:
0x3a: {  	_ = 	snop;
	(pc) =	sbr.rel .LBB1_4-.Ltmp4, $1  }
0x3b: {  	_ =	sdelay $0x3  }
.LBB1_6:
0x3c: {  	_ =	sfence.sel $0x180000  }
0x3d: {  	s2 =	simm.s32 $0x1;
	[bflag:$0x0] =	sbarrier.arrive $0xFFFF  }
0x3e: {  	s31 =	simm.s32 $0x2;
	[sflag:s2] =	ssyncpa.u1 $0x1  }
0x3f: {  	[sflag:s31] =	ssyncpa.u1 $0x1  }
0x40: {  	p0 =	sne.s32 s0, $0x0;
	_ =	strace $0x9000004A  }
0x41: {  	s0 =	sadd.s32 @!p0 $0x100000, s1;
	[bflag:$0x2] =	sbarrier.arrive $0xFFFF  }
0x42: {  	[sflag:s0] =	ssyncadd.tile.s32 @!p0 $0x1;
	_ =	shalt  }
.Lfunc_end1:
_tile_overlayer_lowered:
.L_overlay_start_2:
0x43: {  	(tag) =	ssettag $0x2  }
0x44: {  	s0 =	rddreg [dreg:$0x0];
	s2 =	stileid.u32  }
0x45: {  	s1 =	rddreg [dreg:$0x1];
	p0 =	sne.s32 s2, $0x0  }
0x46: {  	s3 =	rddreg [dreg:$0x2];
	[bflag:$0x3] =	sbarrier.arrive $0xFFFF;
	s2 =	simm.s32 @!p0 $0x1C01  }
0x47: {  	[timem:s3], [sflag:s2] =	dma.local @!p0 [hbm:s0], s1  }
0x48: {  	s0 =	simm.s32 @!p0 $0x1  }
0x49: {  	_ =	swait.ge @!p0 [sflag:s0], s1  }
0x4a: {  	s1 =	ssub.s32 @!p0 $0x0, s1;
	[sflag:s0] =	ssyncset.done @!p0 $0x0  }
0x4b: {  	[sflag:s0] =	ssyncadd.s32 @!p0 s1  }
0x4c: {  	[bflag:$0x3] =	sbarrier.arrive $0xFFFF  }
0x4d: {  	_ =	shalt  }

</sc_bundles>
